<compile_context>
chip_gen: v7x
topology: tpu7x:2x2x1
jax: 0.10.2.dev20260603
libtpu: 0.0.44.dev20260713+nightly
codegen_flags: <defaults>
</compile_context>

<pallas_src>
import functools

import jax
import jax.numpy as jnp
from jax import lax
from jax.experimental import pallas as pl
from jax.experimental.pallas import tpu as pltpu
from jax.experimental.pallas import tpu_sc as plsc

_VOCAB = 100000
_EMB = 64
_BATCH = 4096
_SEQ = 200
_NOUT = 10

_NC = 2
_NS = 16
_NW = _NC * _NS
_ROWS_PER_W = _BATCH // _NW
_CA = 128
_CB = 72
_IDX_PER_W = _ROWS_PER_W * _SEQ
_EMBP = 128
_LOOK = 2


def _sc_pool(idx_rs, emb_table):
    mesh = plsc.VectorSubcoreMesh(core_axis_name="c", subcore_axis_name="s")

    @functools.partial(
        pl.kernel,
        mesh=mesh,
        out_type=jax.ShapeDtypeStruct((_BATCH * _EMB,), jnp.float32),
        scratch_types=[
            pltpu.VMEM((_ROWS_PER_W, _CA), jnp.int32),
            pltpu.VMEM((_ROWS_PER_W, _CA), jnp.int32),
            pltpu.VMEM((_ROWS_PER_W * _EMB,), jnp.float32),
        ] + [pltpu.VMEM((_CA, _EMBP), jnp.float32)] * _LOOK
          + [pltpu.VMEM((_CB, _EMBP), jnp.float32)] * _LOOK
          + [pltpu.SemaphoreType.DMA] * (2 * _LOOK),
        compiler_params=pltpu.CompilerParams(use_tc_tiling_on_sc=False),
    )
    def pool_kernel(idxA_hbm, idxB_hbm, table_hbm, out_hbm,
                    idxA_v, idxB_v, outs_v, *bufsem):
        bufA = bufsem[:_LOOK]
        bufB = bufsem[_LOOK:2 * _LOOK]
        semA = bufsem[2 * _LOOK:3 * _LOOK]
        semB = bufsem[3 * _LOOK:]
        wid = lax.axis_index("s") * _NC + lax.axis_index("c")

        pltpu.sync_copy(idxA_hbm.at[pl.ds(wid * _ROWS_PER_W, _ROWS_PER_W)],
                        idxA_v)
        pltpu.sync_copy(idxB_hbm.at[pl.ds(wid * _ROWS_PER_W, _ROWS_PER_W)],
                        idxB_v)

        def cpA(row, p):
            return pltpu.make_async_copy(
                table_hbm.at[idxA_v.at[row, pl.ds(0, _CA)]],
                bufA[p], semA[p])

        def cpB(row, p):
            return pltpu.make_async_copy(
                table_hbm.at[idxB_v.at[row, pl.ds(0, _CB)]],
                bufB[p], semB[p])

        for p in range(_LOOK):
            cpA(p, p).start()
            cpB(p, p).start()

        neg = jnp.full((16,), -jnp.inf, dtype=jnp.float32)

        def reduce_chunk(buf, n, accs):
            def body(t, accs):
                a0, a1, a2, a3 = accs
                for u in range(8):
                    r = t * 8 + u
                    a0 = jnp.maximum(a0, buf[r, pl.ds(0, 16)])
                    a1 = jnp.maximum(a1, buf[r, pl.ds(16, 16)])
                    a2 = jnp.maximum(a2, buf[r, pl.ds(32, 16)])
                    a3 = jnp.maximum(a3, buf[r, pl.ds(48, 16)])
                return a0, a1, a2, a3
            return lax.fori_loop(0, n // 8, body, accs)

        def group(g, carry):
            for p in range(_LOOK):
                row = _LOOK * g + p
                cpA(row, p).wait()
                accs = reduce_chunk(bufA[p], _CA, (neg, neg, neg, neg))
                cpB(row, p).wait()
                accs = reduce_chunk(bufB[p], _CB, accs)

                @pl.when(row + _LOOK < _ROWS_PER_W)
                def _start_next():
                    cpA(row + _LOOK, p).start()
                    cpB(row + _LOOK, p).start()

                a0, a1, a2, a3 = accs
                outs_v[pl.ds(row * _EMB, 16)] = a0
                outs_v[pl.ds(row * _EMB + 16, 16)] = a1
                outs_v[pl.ds(row * _EMB + 32, 16)] = a2
                outs_v[pl.ds(row * _EMB + 48, 16)] = a3
            return carry

        lax.fori_loop(0, _ROWS_PER_W // _LOOK, group, 0)

        pltpu.sync_copy(outs_v,
                        out_hbm.at[pl.ds(wid * _ROWS_PER_W * _EMB,
                                         _ROWS_PER_W * _EMB)])

    return pool_kernel


def _tc_head(pooled, W_out, b_out):
    def body(x_ref, w_ref, b_ref, o_ref):
        logits = jnp.dot(x_ref[...], w_ref[...],
                         preferred_element_type=jnp.float32) + b_ref[...]
        m = jnp.max(logits, axis=-1, keepdims=True)
        e = jnp.exp(logits - m)
        o_ref[...] = e / jnp.sum(e, axis=-1, keepdims=True)

    return pl.pallas_call(
        body,
        out_shape=jax.ShapeDtypeStruct((_BATCH, _NOUT), jnp.float32),
    )(pooled, W_out, b_out.reshape(1, _NOUT))


def kernel(indices, emb_table, W_out, b_out):
    idxA = indices[:, :_CA]
    idxB = jnp.pad(indices[:, _CA:], ((0, 0), (0, _CA - _CB)))
    table_pad = jnp.pad(emb_table, ((0, 0), (0, _EMBP - _EMB)))
    pooled_flat = _sc_pool(idxA, table_pad)(idxA, idxB, table_pad)
    pooled = pooled_flat.reshape(_BATCH, _EMB)
    return _tc_head(pooled, W_out, b_out)

# --- scband reference (transcript-rebuilt; emitter-appended) ---
"""Pipeline reference for scband-xswem-26938034881284 (READ-ONLY COPY).

The authoritative reference and input builder live on the scoring server;
editing this copy changes nothing except your own understanding.
"""

import jax, jax.numpy as jnp
import numpy as np

VOCAB = 100000
EMB = 64
BATCH = 4096
SEQ = 200
N_OUT = 10


def setup_inputs(seed: int = 0) -> dict:
    key = jax.random.key(seed)
    k1, k2, k3, k4 = jax.random.split(key, 4)
    indices = jax.random.randint(k1, (BATCH, SEQ), 0, VOCAB, dtype=jnp.int32)
    # embedding weights per XSWEM paper: uniform(-0.01, 0.01)
    emb_table = jax.random.uniform(k2, (VOCAB, EMB), minval=-0.01, maxval=0.01, dtype=jnp.float32)
    W_out = jax.random.normal(k3, (EMB, N_OUT), dtype=jnp.float32) * 0.1
    b_out = jnp.zeros((N_OUT,), dtype=jnp.float32)
    return {"indices": indices, "emb_table": emb_table, "W_out": W_out, "b_out": b_out}


def reference(indices, emb_table, W_out, b_out):
    # Embedding lookup (mask_zero=False, no dropout, no adapt_embeddings)
    x = jnp.take(emb_table, indices, axis=0)  # [B, S, E]
    # GlobalMaxPool1D over the sequence axis
    x = jnp.max(x, axis=1)  # [B, E]
    # Output dense layer with softmax activation
    logits = x @ W_out + b_out  # [B, N_OUT]
    return jax.nn.softmax(logits, axis=-1)

if __name__ == "__main__":
    import jax
    _d = setup_inputs()
    print(jax.jit(kernel)(*tuple(_d.values())))

</pallas_src>

<mosaic_0001>
#map = affine_map<(d0, d1) -> (0, 0)>
#map1 = affine_map<(d0, d1) -> (0)>
module attributes {stable_mosaic.version = 14 : i64} {
  func.func @pool_kernel(%arg0: i32, %arg1: i32, %arg2: memref<4096x128xi32, #tpu.memory_space<hbm>>, %arg3: memref<4096x128xi32, #tpu.memory_space<hbm>>, %arg4: memref<100000x128xf32, #tpu.memory_space<hbm>>, %arg5: memref<262144xf32, #tpu.memory_space<hbm>>, %arg6: memref<128x128xi32, #tpu.memory_space<vmem>>, %arg7: memref<128x128xi32, #tpu.memory_space<vmem>>, %arg8: memref<8192xf32, #tpu.memory_space<vmem>>, %arg9: memref<128x128xf32, #tpu.memory_space<vmem>>, %arg10: memref<128x128xf32, #tpu.memory_space<vmem>>, %arg11: memref<72x128xf32, #tpu.memory_space<vmem>>, %arg12: memref<72x128xf32, #tpu.memory_space<vmem>>, %arg13: memref<!tpu.dma_semaphore, #tpu.memory_space<semaphore_mem>>, %arg14: memref<!tpu.dma_semaphore, #tpu.memory_space<semaphore_mem>>, %arg15: memref<!tpu.dma_semaphore, #tpu.memory_space<semaphore_mem>>, %arg16: memref<!tpu.dma_semaphore, #tpu.memory_space<semaphore_mem>>) attributes {dimension_semantics = [#tpu.dimension_semantics<core_parallel>, #tpu.dimension_semantics<subcore_parallel>], iteration_bounds = array<i64: 2, 16>, scalar_prefetch = 0 : i64, scratch_operands = 11 : i64, tpu.core_type = #tpu.core_type<sc_vector_subcore>, window_params = [{transform_indices = #map}, {transform_indices = #map}, {transform_indices = #map}, {transform_indices = #map1}]} {
    %mul3A = arith.constant 2 : i32
    %mul3A_0 = arith.muli %arg1, %mul3A : i32
    %add3A = arith.addi %mul3A_0, %arg0 : i32
    %mul3A_1 = arith.constant 128 : i32
    %mul3A_2 = arith.muli %add3A, %mul3A_1 : i32
    "tpu.region"() ({
      %run_scoped3A = tpu.sem_alloc : memref<!tpu.dma_semaphore, #tpu.memory_space<semaphore_mem>>
      %dma_start3A_42 = arith.constant 0 : i32
      %dma_start3A_43 = tpu.memref_slice %arg2[%mul3A_2, %dma_start3A_42] : memref<4096x128xi32, #tpu.memory_space<hbm>> -> memref<128x128xi32, #tpu.memory_space<hbm>>
      %dma_start3A_44 = arith.constant 0 : i32
      %dma_start3A_45 = tpu.memref_slice %arg2[%mul3A_2, %dma_start3A_44] : memref<4096x128xi32, #tpu.memory_space<hbm>> -> memref<128x128xi32, #tpu.memory_space<hbm>>
      tpu.enqueue_dma source(%dma_start3A_45 : memref<128x128xi32, #tpu.memory_space<hbm>>) target(%arg6 : memref<128x128xi32, #tpu.memory_space<vmem>>) target_semaphore(%run_scoped3A : memref<!tpu.dma_semaphore, #tpu.memory_space<semaphore_mem>>)
      %dma_wait3A = arith.constant 0 : i32
      %dma_wait3A_46 = tpu.memref_slice %arg2[%mul3A_2, %dma_wait3A] : memref<4096x128xi32, #tpu.memory_space<hbm>> -> memref<128x128xi32, #tpu.memory_space<hbm>>
      %dma_wait3A_47 = arith.constant 0 : i32
      %dma_wait3A_48 = tpu.memref_slice %arg2[%mul3A_2, %dma_wait3A_47] : memref<4096x128xi32, #tpu.memory_space<hbm>> -> memref<128x128xi32, #tpu.memory_space<hbm>>
      tpu.wait_dma2 semaphore(%run_scoped3A : memref<!tpu.dma_semaphore, #tpu.memory_space<semaphore_mem>>) src(%dma_wait3A_48 : memref<128x128xi32, #tpu.memory_space<hbm>>) dst(%arg6 : memref<128x128xi32, #tpu.memory_space<vmem>>)
      tpu.yield
    }) : () -> ()
    %mul3A_3 = arith.constant 128 : i32
    %mul3A_4 = arith.muli %add3A, %mul3A_3 : i32
    "tpu.region"() ({
      %run_scoped3A = tpu.sem_alloc : memref<!tpu.dma_semaphore, #tpu.memory_space<semaphore_mem>>
      %dma_start3A_42 = arith.constant 0 : i32
      %dma_start3A_43 = tpu.memref_slice %arg3[%mul3A_4, %dma_start3A_42] : memref<4096x128xi32, #tpu.memory_space<hbm>> -> memref<128x128xi32, #tpu.memory_space<hbm>>
      %dma_start3A_44 = arith.constant 0 : i32
      %dma_start3A_45 = tpu.memref_slice %arg3[%mul3A_4, %dma_start3A_44] : memref<4096x128xi32, #tpu.memory_space<hbm>> -> memref<128x128xi32, #tpu.memory_space<hbm>>
      tpu.enqueue_dma source(%dma_start3A_45 : memref<128x128xi32, #tpu.memory_space<hbm>>) target(%arg7 : memref<128x128xi32, #tpu.memory_space<vmem>>) target_semaphore(%run_scoped3A : memref<!tpu.dma_semaphore, #tpu.memory_space<semaphore_mem>>)
      %dma_wait3A = arith.constant 0 : i32
      %dma_wait3A_46 = tpu.memref_slice %arg3[%mul3A_4, %dma_wait3A] : memref<4096x128xi32, #tpu.memory_space<hbm>> -> memref<128x128xi32, #tpu.memory_space<hbm>>
      %dma_wait3A_47 = arith.constant 0 : i32
      %dma_wait3A_48 = tpu.memref_slice %arg3[%mul3A_4, %dma_wait3A_47] : memref<4096x128xi32, #tpu.memory_space<hbm>> -> memref<128x128xi32, #tpu.memory_space<hbm>>
      tpu.wait_dma2 semaphore(%run_scoped3A : memref<!tpu.dma_semaphore, #tpu.memory_space<semaphore_mem>>) src(%dma_wait3A_48 : memref<128x128xi32, #tpu.memory_space<hbm>>) dst(%arg7 : memref<128x128xi32, #tpu.memory_space<vmem>>)
      tpu.yield
    }) : () -> ()
    %dma_start3A = arith.constant 0 : i32
    %dma_start3A_5 = arith.constant 0 : i32
    %dma_start3A_6 = tpu.memref_slice %arg6[%dma_start3A, %dma_start3A_5] : memref<128x128xi32, #tpu.memory_space<vmem>> -> memref<1x128xi32, #tpu.memory_space<vmem>>
    %dma_start3A_7 = tpu.memref_squeeze %dma_start3A_6 : memref<1x128xi32, #tpu.memory_space<vmem>> -> memref<128xi32, #tpu.memory_space<vmem>>
    %dma_start3A_8 = arith.constant 0 : i32
    %dma_start3A_9 = arith.constant 0 : i32
    %dma_start3A_10 = tpu.memref_slice %arg4[%dma_start3A_8, %dma_start3A_9] : memref<100000x128xf32, #tpu.memory_space<hbm>> -> memref<100000x128xf32, #tpu.memory_space<hbm>>
    tpu.enqueue_indirect_dma source(%dma_start3A_10 : memref<100000x128xf32, #tpu.memory_space<hbm>>) target(%arg9 : memref<128x128xf32, #tpu.memory_space<vmem>>) offsets(%dma_start3A_7 : memref<128xi32, #tpu.memory_space<vmem>>) semaphore(%arg13 : memref<!tpu.dma_semaphore, #tpu.memory_space<semaphore_mem>>)
    %dma_start3A_11 = arith.constant 0 : i32
    %dma_start3A_12 = arith.constant 0 : i32
    %dma_start3A_13 = tpu.memref_slice %arg7[%dma_start3A_11, %dma_start3A_12] : memref<128x128xi32, #tpu.memory_space<vmem>> -> memref<1x72xi32, #tpu.memory_space<vmem>>
    %dma_start3A_14 = tpu.memref_squeeze %dma_start3A_13 : memref<1x72xi32, #tpu.memory_space<vmem>> -> memref<72xi32, #tpu.memory_space<vmem>>
    %dma_start3A_15 = arith.constant 0 : i32
    %dma_start3A_16 = arith.constant 0 : i32
    %dma_start3A_17 = tpu.memref_slice %arg4[%dma_start3A_15, %dma_start3A_16] : memref<100000x128xf32, #tpu.memory_space<hbm>> -> memref<100000x128xf32, #tpu.memory_space<hbm>>
    tpu.enqueue_indirect_dma source(%dma_start3A_17 : memref<100000x128xf32, #tpu.memory_space<hbm>>) target(%arg11 : memref<72x128xf32, #tpu.memory_space<vmem>>) offsets(%dma_start3A_14 : memref<72xi32, #tpu.memory_space<vmem>>) semaphore(%arg15 : memref<!tpu.dma_semaphore, #tpu.memory_space<semaphore_mem>>)
    %dma_start3A_18 = arith.constant 1 : i32
    %dma_start3A_19 = arith.constant 0 : i32
    %dma_start3A_20 = tpu.memref_slice %arg6[%dma_start3A_18, %dma_start3A_19] : memref<128x128xi32, #tpu.memory_space<vmem>> -> memref<1x128xi32, #tpu.memory_space<vmem>>
    %dma_start3A_21 = tpu.memref_squeeze %dma_start3A_20 : memref<1x128xi32, #tpu.memory_space<vmem>> -> memref<128xi32, #tpu.memory_space<vmem>>
    %dma_start3A_22 = arith.constant 0 : i32
    %dma_start3A_23 = arith.constant 0 : i32
    %dma_start3A_24 = tpu.memref_slice %arg4[%dma_start3A_22, %dma_start3A_23] : memref<100000x128xf32, #tpu.memory_space<hbm>> -> memref<100000x128xf32, #tpu.memory_space<hbm>>
    tpu.enqueue_indirect_dma source(%dma_start3A_24 : memref<100000x128xf32, #tpu.memory_space<hbm>>) target(%arg10 : memref<128x128xf32, #tpu.memory_space<vmem>>) offsets(%dma_start3A_21 : memref<128xi32, #tpu.memory_space<vmem>>) semaphore(%arg14 : memref<!tpu.dma_semaphore, #tpu.memory_space<semaphore_mem>>)
    %dma_start3A_25 = arith.constant 1 : i32
    %dma_start3A_26 = arith.constant 0 : i32
    %dma_start3A_27 = tpu.memref_slice %arg7[%dma_start3A_25, %dma_start3A_26] : memref<128x128xi32, #tpu.memory_space<vmem>> -> memref<1x72xi32, #tpu.memory_space<vmem>>
    %dma_start3A_28 = tpu.memref_squeeze %dma_start3A_27 : memref<1x72xi32, #tpu.memory_space<vmem>> -> memref<72xi32, #tpu.memory_space<vmem>>
    %dma_start3A_29 = arith.constant 0 : i32
    %dma_start3A_30 = arith.constant 0 : i32
    %dma_start3A_31 = tpu.memref_slice %arg4[%dma_start3A_29, %dma_start3A_30] : memref<100000x128xf32, #tpu.memory_space<hbm>> -> memref<100000x128xf32, #tpu.memory_space<hbm>>
    tpu.enqueue_indirect_dma source(%dma_start3A_31 : memref<100000x128xf32, #tpu.memory_space<hbm>>) target(%arg12 : memref<72x128xf32, #tpu.memory_space<vmem>>) offsets(%dma_start3A_28 : memref<72xi32, #tpu.memory_space<vmem>>) semaphore(%arg16 : memref<!tpu.dma_semaphore, #tpu.memory_space<semaphore_mem>>)
    %broadcast_in_dim3A = arith.constant 0xFF800000 : f32
    %broadcast_in_dim3A_32 = vector.broadcast %broadcast_in_dim3A : f32 to vector<16xf32>
    %scan3A = arith.constant 0 : i32
    %scan3A_33 = arith.constant 0 : i32
    %scan3A_34 = arith.constant 64 : i32
    %scan3A_35 = arith.addi %scan3A_33, %scan3A_34 : i32
    %scan3A_36 = arith.constant 1 : i32
    scf.for %scan3A_42 = %scan3A_33 to %scan3A_35 step %scan3A_36  : i32 {
      %mul3A_43 = arith.constant 2 : i32
      %mul3A_44 = arith.muli %mul3A_43, %scan3A_42 : i32
      %add3A_45 = arith.constant 0 : i32
      %add3A_46 = arith.addi %mul3A_44, %add3A_45 : i32
      %dma_wait3A = arith.constant 0 : i32
      %dma_wait3A_47 = tpu.memref_slice %arg6[%add3A_46, %dma_wait3A] : memref<128x128xi32, #tpu.memory_space<vmem>> -> memref<1x128xi32, #tpu.memory_space<vmem>>
      %dma_wait3A_48 = tpu.memref_squeeze %dma_wait3A_47 : memref<1x128xi32, #tpu.memory_space<vmem>> -> memref<128xi32, #tpu.memory_space<vmem>>
      %dma_wait3A_49 = arith.constant 0 : i32
      %dma_wait3A_50 = arith.constant 0 : i32
      %dma_wait3A_51 = tpu.memref_slice %arg4[%dma_wait3A_49, %dma_wait3A_50] : memref<100000x128xf32, #tpu.memory_space<hbm>> -> memref<100000x128xf32, #tpu.memory_space<hbm>>
      tpu.wait_indirect_dma semaphore(%arg13 : memref<!tpu.dma_semaphore, #tpu.memory_space<semaphore_mem>>) src(%dma_wait3A_51 : memref<100000x128xf32, #tpu.memory_space<hbm>>) dst(%arg9 : memref<128x128xf32, #tpu.memory_space<vmem>>)
      %scan3A_52 = arith.constant 0 : i32
      %scan3A_53 = arith.constant 16 : i32
      %scan3A_54 = arith.addi %scan3A_52, %scan3A_53 : i32
      %scan3A_55 = arith.constant 1 : i32
      %scan3A_56:4 = scf.for %scan3A_168 = %scan3A_52 to %scan3A_54 step %scan3A_55 iter_args(%scan3A_169 = %broadcast_in_dim3A_32, %scan3A_170 = %broadcast_in_dim3A_32, %scan3A_171 = %broadcast_in_dim3A_32, %scan3A_172 = %broadcast_in_dim3A_32) -> (vector<16xf32>, vector<16xf32>, vector<16xf32>, vector<16xf32>)  : i32 {
        %mul3A_173 = arith.constant 8 : i32
        %mul3A_174 = arith.muli %scan3A_168, %mul3A_173 : i32
        %add3A_175 = arith.constant 0 : i32
        %add3A_176 = arith.addi %mul3A_174, %add3A_175 : i32
        %get3A = arith.index_cast %add3A_176 : i32 to index
        %get3A_177 = arith.constant 0 : index
        %get3A_178 = tpu.vector_load %arg9[%get3A, %get3A_177] {strides = array<i32>} : memref<128x128xf32, #tpu.memory_space<vmem>>, vector<1x16xf32>,
        %get3A_179 = vector.shape_cast %get3A_178 : vector<1x16xf32> to vector<16xf32>
        %max3A = arith.maximumf %scan3A_169, %get3A_179 : vector<16xf32>
        %get3A_180 = arith.index_cast %add3A_176 : i32 to index
        %get3A_181 = arith.constant 16 : index
        %get3A_182 = tpu.vector_load %arg9[%get3A_180, %get3A_181] {strides = array<i32>} : memref<128x128xf32, #tpu.memory_space<vmem>>, vector<1x16xf32>,
        %get3A_183 = vector.shape_cast %get3A_182 : vector<1x16xf32> to vector<16xf32>
        %max3A_184 = arith.maximumf %scan3A_170, %get3A_183 : vector<16xf32>
        %get3A_185 = arith.index_cast %add3A_176 : i32 to index
        %get3A_186 = arith.constant 32 : index
        %get3A_187 = tpu.vector_load %arg9[%get3A_185, %get3A_186] {strides = array<i32>} : memref<128x128xf32, #tpu.memory_space<vmem>>, vector<1x16xf32>,
        %get3A_188 = vector.shape_cast %get3A_187 : vector<1x16xf32> to vector<16xf32>
        %max3A_189 = arith.maximumf %scan3A_171, %get3A_188 : vector<16xf32>
        %get3A_190 = arith.index_cast %add3A_176 : i32 to index
        %get3A_191 = arith.constant 48 : index
        %get3A_192 = tpu.vector_load %arg9[%get3A_190, %get3A_191] {strides = array<i32>} : memref<128x128xf32, #tpu.memory_space<vmem>>, vector<1x16xf32>,
        %get3A_193 = vector.shape_cast %get3A_192 : vector<1x16xf32> to vector<16xf32>
        %max3A_194 = arith.maximumf %scan3A_172, %get3A_193 : vector<16xf32>
        %mul3A_195 = arith.constant 8 : i32
        %mul3A_196 = arith.muli %scan3A_168, %mul3A_195 : i32
        %add3A_197 = arith.constant 1 : i32
        %add3A_198 = arith.addi %mul3A_196, %add3A_197 : i32
        %get3A_199 = arith.index_cast %add3A_198 : i32 to index
        %get3A_200 = arith.constant 0 : index
        %get3A_201 = tpu.vector_load %arg9[%get3A_199, %get3A_200] {strides = array<i32>} : memref<128x128xf32, #tpu.memory_space<vmem>>, vector<1x16xf32>,
        %get3A_202 = vector.shape_cast %get3A_201 : vector<1x16xf32> to vector<16xf32>
        %max3A_203 = arith.maximumf %max3A, %get3A_202 : vector<16xf32>
        %get3A_204 = arith.index_cast %add3A_198 : i32 to index
        %get3A_205 = arith.constant 16 : index
        %get3A_206 = tpu.vector_load %arg9[%get3A_204, %get3A_205] {strides = array<i32>} : memref<128x128xf32, #tpu.memory_space<vmem>>, vector<1x16xf32>,
        %get3A_207 = vector.shape_cast %get3A_206 : vector<1x16xf32> to vector<16xf32>
        %max3A_208 = arith.maximumf %max3A_184, %get3A_207 : vector<16xf32>
        %get3A_209 = arith.index_cast %add3A_198 : i32 to index
        %get3A_210 = arith.constant 32 : index
        %get3A_211 = tpu.vector_load %arg9[%get3A_209, %get3A_210] {strides = array<i32>} : memref<128x128xf32, #tpu.memory_space<vmem>>, vector<1x16xf32>,
        %get3A_212 = vector.shape_cast %get3A_211 : vector<1x16xf32> to vector<16xf32>
        %max3A_213 = arith.maximumf %max3A_189, %get3A_212 : vector<16xf32>
        %get3A_214 = arith.index_cast %add3A_198 : i32 to index
        %get3A_215 = arith.constant 48 : index
        %get3A_216 = tpu.vector_load %arg9[%get3A_214, %get3A_215] {strides = array<i32>} : memref<128x128xf32, #tpu.memory_space<vmem>>, vector<1x16xf32>,
        %get3A_217 = vector.shape_cast %get3A_216 : vector<1x16xf32> to vector<16xf32>
        %max3A_218 = arith.maximumf %max3A_194, %get3A_217 : vector<16xf32>
        %mul3A_219 = arith.constant 8 : i32
        %mul3A_220 = arith.muli %scan3A_168, %mul3A_219 : i32
        %add3A_221 = arith.constant 2 : i32
        %add3A_222 = arith.addi %mul3A_220, %add3A_221 : i32
        %get3A_223 = arith.index_cast %add3A_222 : i32 to index
        %get3A_224 = arith.constant 0 : index
        %get3A_225 = tpu.vector_load %arg9[%get3A_223, %get3A_224] {strides = array<i32>} : memref<128x128xf32, #tpu.memory_space<vmem>>, vector<1x16xf32>,
        %get3A_226 = vector.shape_cast %get3A_225 : vector<1x16xf32> to vector<16xf32>
        %max3A_227 = arith.maximumf %max3A_203, %get3A_226 : vector<16xf32>
        %get3A_228 = arith.index_cast %add3A_222 : i32 to index
        %get3A_229 = arith.constant 16 : index
        %get3A_230 = tpu.vector_load %arg9[%get3A_228, %get3A_229] {strides = array<i32>} : memref<128x128xf32, #tpu.memory_space<vmem>>, vector<1x16xf32>,
        %get3A_231 = vector.shape_cast %get3A_230 : vector<1x16xf32> to vector<16xf32>
        %max3A_232 = arith.maximumf %max3A_208, %get3A_231 : vector<16xf32>
        %get3A_233 = arith.index_cast %add3A_222 : i32 to index
        %get3A_234 = arith.constant 32 : index
        %get3A_235 = tpu.vector_load %arg9[%get3A_233, %get3A_234] {strides = array<i32>} : memref<128x128xf32, #tpu.memory_space<vmem>>, vector<1x16xf32>,
        %get3A_236 = vector.shape_cast %get3A_235 : vector<1x16xf32> to vector<16xf32>
        %max3A_237 = arith.maximumf %max3A_213, %get3A_236 : vector<16xf32>
        %get3A_238 = arith.index_cast %add3A_222 : i32 to index
        %get3A_239 = arith.constant 48 : index
        %get3A_240 = tpu.vector_load %arg9[%get3A_238, %get3A_239] {strides = array<i32>} : memref<128x128xf32, #tpu.memory_space<vmem>>, vector<1x16xf32>,
        %get3A_241 = vector.shape_cast %get3A_240 : vector<1x16xf32> to vector<16xf32>
        %max3A_242 = arith.maximumf %max3A_218, %get3A_241 : vector<16xf32>
        %mul3A_243 = arith.constant 8 : i32
        %mul3A_244 = arith.muli %scan3A_168, %mul3A_243 : i32
        %add3A_245 = arith.constant 3 : i32
        %add3A_246 = arith.addi %mul3A_244, %add3A_245 : i32
        %get3A_247 = arith.index_cast %add3A_246 : i32 to index
        %get3A_248 = arith.constant 0 : index
        %get3A_249 = tpu.vector_load %arg9[%get3A_247, %get3A_248] {strides = array<i32>} : memref<128x128xf32, #tpu.memory_space<vmem>>, vector<1x16xf32>,
        %get3A_250 = vector.shape_cast %get3A_249 : vector<1x16xf32> to vector<16xf32>
        %max3A_251 = arith.maximumf %max3A_227, %get3A_250 : vector<16xf32>
        %get3A_252 = arith.index_cast %add3A_246 : i32 to index
        %get3A_253 = arith.constant 16 : index
        %get3A_254 = tpu.vector_load %arg9[%get3A_252, %get3A_253] {strides = array<i32>} : memref<128x128xf32, #tpu.memory_space<vmem>>, vector<1x16xf32>,
        %get3A_255 = vector.shape_cast %get3A_254 : vector<1x16xf32> to vector<16xf32>
        %max3A_256 = arith.maximumf %max3A_232, %get3A_255 : vector<16xf32>
        %get3A_257 = arith.index_cast %add3A_246 : i32 to index
        %get3A_258 = arith.constant 32 : index
        %get3A_259 = tpu.vector_load %arg9[%get3A_257, %get3A_258] {strides = array<i32>} : memref<128x128xf32, #tpu.memory_space<vmem>>, vector<1x16xf32>,
        %get3A_260 = vector.shape_cast %get3A_259 : vector<1x16xf32> to vector<16xf32>
        %max3A_261 = arith.maximumf %max3A_237, %get3A_260 : vector<16xf32>
        %get3A_262 = arith.index_cast %add3A_246 : i32 to index
        %get3A_263 = arith.constant 48 : index
        %get3A_264 = tpu.vector_load %arg9[%get3A_262, %get3A_263] {strides = array<i32>} : memref<128x128xf32, #tpu.memory_space<vmem>>, vector<1x16xf32>,
        %get3A_265 = vector.shape_cast %get3A_264 : vector<1x16xf32> to vector<16xf32>
        %max3A_266 = arith.maximumf %max3A_242, %get3A_265 : vector<16xf32>
        %mul3A_267 = arith.constant 8 : i32
        %mul3A_268 = arith.muli %scan3A_168, %mul3A_267 : i32
        %add3A_269 = arith.constant 4 : i32
        %add3A_270 = arith.addi %mul3A_268, %add3A_269 : i32
        %get3A_271 = arith.index_cast %add3A_270 : i32 to index
        %get3A_272 = arith.constant 0 : index
        %get3A_273 = tpu.vector_load %arg9[%get3A_271, %get3A_272] {strides = array<i32>} : memref<128x128xf32, #tpu.memory_space<vmem>>, vector<1x16xf32>,
        %get3A_274 = vector.shape_cast %get3A_273 : vector<1x16xf32> to vector<16xf32>
        %max3A_275 = arith.maximumf %max3A_251, %get3A_274 : vector<16xf32>
        %get3A_276 = arith.index_cast %add3A_270 : i32 to index
        %get3A_277 = arith.constant 16 : index
        %get3A_278 = tpu.vector_load %arg9[%get3A_276, %get3A_277] {strides = array<i32>} : memref<128x128xf32, #tpu.memory_space<vmem>>, vector<1x16xf32>,
        %get3A_279 = vector.shape_cast %get3A_278 : vector<1x16xf32> to vector<16xf32>
        %max3A_280 = arith.maximumf %max3A_256, %get3A_279 : vector<16xf32>
        %get3A_281 = arith.index_cast %add3A_270 : i32 to index
        %get3A_282 = arith.constant 32 : index
        %get3A_283 = tpu.vector_load %arg9[%get3A_281, %get3A_282] {strides = array<i32>} : memref<128x128xf32, #tpu.memory_space<vmem>>, vector<1x16xf32>,
        %get3A_284 = vector.shape_cast %get3A_283 : vector<1x16xf32> to vector<16xf32>
        %max3A_285 = arith.maximumf %max3A_261, %get3A_284 : vector<16xf32>
        %get3A_286 = arith.index_cast %add3A_270 : i32 to index
        %get3A_287 = arith.constant 48 : index
        %get3A_288 = tpu.vector_load %arg9[%get3A_286, %get3A_287] {strides = array<i32>} : memref<128x128xf32, #tpu.memory_space<vmem>>, vector<1x16xf32>,
        %get3A_289 = vector.shape_cast %get3A_288 : vector<1x16xf32> to vector<16xf32>
        %max3A_290 = arith.maximumf %max3A_266, %get3A_289 : vector<16xf32>
        %mul3A_291 = arith.constant 8 : i32
        %mul3A_292 = arith.muli %scan3A_168, %mul3A_291 : i32
        %add3A_293 = arith.constant 5 : i32
        %add3A_294 = arith.addi %mul3A_292, %add3A_293 : i32
        %get3A_295 = arith.index_cast %add3A_294 : i32 to index
        %get3A_296 = arith.constant 0 : index
        %get3A_297 = tpu.vector_load %arg9[%get3A_295, %get3A_296] {strides = array<i32>} : memref<128x128xf32, #tpu.memory_space<vmem>>, vector<1x16xf32>,
        %get3A_298 = vector.shape_cast %get3A_297 : vector<1x16xf32> to vector<16xf32>
        %max3A_299 = arith.maximumf %max3A_275, %get3A_298 : vector<16xf32>
        %get3A_300 = arith.index_cast %add3A_294 : i32 to index
        %get3A_301 = arith.constant 16 : index
        %get3A_302 = tpu.vector_load %arg9[%get3A_300, %get3A_301] {strides = array<i32>} : memref<128x128xf32, #tpu.memory_space<vmem>>, vector<1x16xf32>,
        %get3A_303 = vector.shape_cast %get3A_302 : vector<1x16xf32> to vector<16xf32>
        %max3A_304 = arith.maximumf %max3A_280, %get3A_303 : vector<16xf32>
        %get3A_305 = arith.index_cast %add3A_294 : i32 to index
        %get3A_306 = arith.constant 32 : index
        %get3A_307 = tpu.vector_load %arg9[%get3A_305, %get3A_306] {strides = array<i32>} : memref<128x128xf32, #tpu.memory_space<vmem>>, vector<1x16xf32>,
        %get3A_308 = vector.shape_cast %get3A_307 : vector<1x16xf32> to vector<16xf32>
        %max3A_309 = arith.maximumf %max3A_285, %get3A_308 : vector<16xf32>
        %get3A_310 = arith.index_cast %add3A_294 : i32 to index
        %get3A_311 = arith.constant 48 : index
        %get3A_312 = tpu.vector_load %arg9[%get3A_310, %get3A_311] {strides = array<i32>} : memref<128x128xf32, #tpu.memory_space<vmem>>, vector<1x16xf32>,
        %get3A_313 = vector.shape_cast %get3A_312 : vector<1x16xf32> to vector<16xf32>
        %max3A_314 = arith.maximumf %max3A_290, %get3A_313 : vector<16xf32>
        %mul3A_315 = arith.constant 8 : i32
        %mul3A_316 = arith.muli %scan3A_168, %mul3A_315 : i32
        %add3A_317 = arith.constant 6 : i32
        %add3A_318 = arith.addi %mul3A_316, %add3A_317 : i32
        %get3A_319 = arith.index_cast %add3A_318 : i32 to index
        %get3A_320 = arith.constant 0 : index
        %get3A_321 = tpu.vector_load %arg9[%get3A_319, %get3A_320] {strides = array<i32>} : memref<128x128xf32, #tpu.memory_space<vmem>>, vector<1x16xf32>,
        %get3A_322 = vector.shape_cast %get3A_321 : vector<1x16xf32> to vector<16xf32>
        %max3A_323 = arith.maximumf %max3A_299, %get3A_322 : vector<16xf32>
        %get3A_324 = arith.index_cast %add3A_318 : i32 to index
        %get3A_325 = arith.constant 16 : index
        %get3A_326 = tpu.vector_load %arg9[%get3A_324, %get3A_325] {strides = array<i32>} : memref<128x128xf32, #tpu.memory_space<vmem>>, vector<1x16xf32>,
        %get3A_327 = vector.shape_cast %get3A_326 : vector<1x16xf32> to vector<16xf32>
        %max3A_328 = arith.maximumf %max3A_304, %get3A_327 : vector<16xf32>
        %get3A_329 = arith.index_cast %add3A_318 : i32 to index
        %get3A_330 = arith.constant 32 : index
        %get3A_331 = tpu.vector_load %arg9[%get3A_329, %get3A_330] {strides = array<i32>} : memref<128x128xf32, #tpu.memory_space<vmem>>, vector<1x16xf32>,
        %get3A_332 = vector.shape_cast %get3A_331 : vector<1x16xf32> to vector<16xf32>
        %max3A_333 = arith.maximumf %max3A_309, %get3A_332 : vector<16xf32>
        %get3A_334 = arith.index_cast %add3A_318 : i32 to index
        %get3A_335 = arith.constant 48 : index
        %get3A_336 = tpu.vector_load %arg9[%get3A_334, %get3A_335] {strides = array<i32>} : memref<128x128xf32, #tpu.memory_space<vmem>>, vector<1x16xf32>,
        %get3A_337 = vector.shape_cast %get3A_336 : vector<1x16xf32> to vector<16xf32>
        %max3A_338 = arith.maximumf %max3A_314, %get3A_337 : vector<16xf32>
        %mul3A_339 = arith.constant 8 : i32
        %mul3A_340 = arith.muli %scan3A_168, %mul3A_339 : i32
        %add3A_341 = arith.constant 7 : i32
        %add3A_342 = arith.addi %mul3A_340, %add3A_341 : i32
        %get3A_343 = arith.index_cast %add3A_342 : i32 to index
        %get3A_344 = arith.constant 0 : index
        %get3A_345 = tpu.vector_load %arg9[%get3A_343, %get3A_344] {strides = array<i32>} : memref<128x128xf32, #tpu.memory_space<vmem>>, vector<1x16xf32>,
        %get3A_346 = vector.shape_cast %get3A_345 : vector<1x16xf32> to vector<16xf32>
        %max3A_347 = arith.maximumf %max3A_323, %get3A_346 : vector<16xf32>
        %get3A_348 = arith.index_cast %add3A_342 : i32 to index
        %get3A_349 = arith.constant 16 : index
        %get3A_350 = tpu.vector_load %arg9[%get3A_348, %get3A_349] {strides = array<i32>} : memref<128x128xf32, #tpu.memory_space<vmem>>, vector<1x16xf32>,
        %get3A_351 = vector.shape_cast %get3A_350 : vector<1x16xf32> to vector<16xf32>
        %max3A_352 = arith.maximumf %max3A_328, %get3A_351 : vector<16xf32>
        %get3A_353 = arith.index_cast %add3A_342 : i32 to index
        %get3A_354 = arith.constant 32 : index
        %get3A_355 = tpu.vector_load %arg9[%get3A_353, %get3A_354] {strides = array<i32>} : memref<128x128xf32, #tpu.memory_space<vmem>>, vector<1x16xf32>,
        %get3A_356 = vector.shape_cast %get3A_355 : vector<1x16xf32> to vector<16xf32>
        %max3A_357 = arith.maximumf %max3A_333, %get3A_356 : vector<16xf32>
        %get3A_358 = arith.index_cast %add3A_342 : i32 to index
        %get3A_359 = arith.constant 48 : index
        %get3A_360 = tpu.vector_load %arg9[%get3A_358, %get3A_359] {strides = array<i32>} : memref<128x128xf32, #tpu.memory_space<vmem>>, vector<1x16xf32>,
        %get3A_361 = vector.shape_cast %get3A_360 : vector<1x16xf32> to vector<16xf32>
        %max3A_362 = arith.maximumf %max3A_338, %get3A_361 : vector<16xf32>
        scf.yield %max3A_347, %max3A_352, %max3A_357, %max3A_362 : vector<16xf32>, vector<16xf32>, vector<16xf32>, vector<16xf32>
      }
      %scan3A_57 = arith.constant 16 : i32
      %dma_wait3A_58 = arith.constant 0 : i32
      %dma_wait3A_59 = tpu.memref_slice %arg7[%add3A_46, %dma_wait3A_58] : memref<128x128xi32, #tpu.memory_space<vmem>> -> memref<1x72xi32, #tpu.memory_space<vmem>>
      %dma_wait3A_60 = tpu.memref_squeeze %dma_wait3A_59 : memref<1x72xi32, #tpu.memory_space<vmem>> -> memref<72xi32, #tpu.memory_space<vmem>>
      %dma_wait3A_61 = arith.constant 0 : i32
      %dma_wait3A_62 = arith.constant 0 : i32
      %dma_wait3A_63 = tpu.memref_slice %arg4[%dma_wait3A_61, %dma_wait3A_62] : memref<100000x128xf32, #tpu.memory_space<hbm>> -> memref<100000x128xf32, #tpu.memory_space<hbm>>
      tpu.wait_indirect_dma semaphore(%arg15 : memref<!tpu.dma_semaphore, #tpu.memory_space<semaphore_mem>>) src(%dma_wait3A_63 : memref<100000x128xf32, #tpu.memory_space<hbm>>) dst(%arg11 : memref<72x128xf32, #tpu.memory_space<vmem>>)
      %scan3A_64 = arith.constant 0 : i32
      %scan3A_65 = arith.constant 9 : i32
      %scan3A_66 = arith.addi %scan3A_64, %scan3A_65 : i32
      %scan3A_67 = arith.constant 1 : i32
      %scan3A_68:4 = scf.for %scan3A_168 = %scan3A_64 to %scan3A_66 step %scan3A_67 iter_args(%scan3A_169 = %scan3A_56#0, %scan3A_170 = %scan3A_56#1, %scan3A_171 = %scan3A_56#2, %scan3A_172 = %scan3A_56#3) -> (vector<16xf32>, vector<16xf32>, vector<16xf32>, vector<16xf32>)  : i32 {
        %mul3A_173 = arith.constant 8 : i32
        %mul3A_174 = arith.muli %scan3A_168, %mul3A_173 : i32
        %add3A_175 = arith.constant 0 : i32
        %add3A_176 = arith.addi %mul3A_174, %add3A_175 : i32
        %get3A = arith.index_cast %add3A_176 : i32 to index
        %get3A_177 = arith.constant 0 : index
        %get3A_178 = tpu.vector_load %arg11[%get3A, %get3A_177] {strides = array<i32>} : memref<72x128xf32, #tpu.memory_space<vmem>>, vector<1x16xf32>,
        %get3A_179 = vector.shape_cast %get3A_178 : vector<1x16xf32> to vector<16xf32>
        %max3A = arith.maximumf %scan3A_169, %get3A_179 : vector<16xf32>
        %get3A_180 = arith.index_cast %add3A_176 : i32 to index
        %get3A_181 = arith.constant 16 : index
        %get3A_182 = tpu.vector_load %arg11[%get3A_180, %get3A_181] {strides = array<i32>} : memref<72x128xf32, #tpu.memory_space<vmem>>, vector<1x16xf32>,
        %get3A_183 = vector.shape_cast %get3A_182 : vector<1x16xf32> to vector<16xf32>
        %max3A_184 = arith.maximumf %scan3A_170, %get3A_183 : vector<16xf32>
        %get3A_185 = arith.index_cast %add3A_176 : i32 to index
        %get3A_186 = arith.constant 32 : index
        %get3A_187 = tpu.vector_load %arg11[%get3A_185, %get3A_186] {strides = array<i32>} : memref<72x128xf32, #tpu.memory_space<vmem>>, vector<1x16xf32>,
        %get3A_188 = vector.shape_cast %get3A_187 : vector<1x16xf32> to vector<16xf32>
        %max3A_189 = arith.maximumf %scan3A_171, %get3A_188 : vector<16xf32>
        %get3A_190 = arith.index_cast %add3A_176 : i32 to index
        %get3A_191 = arith.constant 48 : index
        %get3A_192 = tpu.vector_load %arg11[%get3A_190, %get3A_191] {strides = array<i32>} : memref<72x128xf32, #tpu.memory_space<vmem>>, vector<1x16xf32>,
        %get3A_193 = vector.shape_cast %get3A_192 : vector<1x16xf32> to vector<16xf32>
        %max3A_194 = arith.maximumf %scan3A_172, %get3A_193 : vector<16xf32>
        %mul3A_195 = arith.constant 8 : i32
        %mul3A_196 = arith.muli %scan3A_168, %mul3A_195 : i32
        %add3A_197 = arith.constant 1 : i32
        %add3A_198 = arith.addi %mul3A_196, %add3A_197 : i32
        %get3A_199 = arith.index_cast %add3A_198 : i32 to index
        %get3A_200 = arith.constant 0 : index
        %get3A_201 = tpu.vector_load %arg11[%get3A_199, %get3A_200] {strides = array<i32>} : memref<72x128xf32, #tpu.memory_space<vmem>>, vector<1x16xf32>,
        %get3A_202 = vector.shape_cast %get3A_201 : vector<1x16xf32> to vector<16xf32>
        %max3A_203 = arith.maximumf %max3A, %get3A_202 : vector<16xf32>
        %get3A_204 = arith.index_cast %add3A_198 : i32 to index
        %get3A_205 = arith.constant 16 : index
        %get3A_206 = tpu.vector_load %arg11[%get3A_204, %get3A_205] {strides = array<i32>} : memref<72x128xf32, #tpu.memory_space<vmem>>, vector<1x16xf32>,
        %get3A_207 = vector.shape_cast %get3A_206 : vector<1x16xf32> to vector<16xf32>
        %max3A_208 = arith.maximumf %max3A_184, %get3A_207 : vector<16xf32>
        %get3A_209 = arith.index_cast %add3A_198 : i32 to index
        %get3A_210 = arith.constant 32 : index
        %get3A_211 = tpu.vector_load %arg11[%get3A_209, %get3A_210] {strides = array<i32>} : memref<72x128xf32, #tpu.memory_space<vmem>>, vector<1x16xf32>,
        %get3A_212 = vector.shape_cast %get3A_211 : vector<1x16xf32> to vector<16xf32>
        %max3A_213 = arith.maximumf %max3A_189, %get3A_212 : vector<16xf32>
        %get3A_214 = arith.index_cast %add3A_198 : i32 to index
        %get3A_215 = arith.constant 48 : index
        %get3A_216 = tpu.vector_load %arg11[%get3A_214, %get3A_215] {strides = array<i32>} : memref<72x128xf32, #tpu.memory_space<vmem>>, vector<1x16xf32>,
        %get3A_217 = vector.shape_cast %get3A_216 : vector<1x16xf32> to vector<16xf32>
        %max3A_218 = arith.maximumf %max3A_194, %get3A_217 : vector<16xf32>
        %mul3A_219 = arith.constant 8 : i32
        %mul3A_220 = arith.muli %scan3A_168, %mul3A_219 : i32
        %add3A_221 = arith.constant 2 : i32
        %add3A_222 = arith.addi %mul3A_220, %add3A_221 : i32
        %get3A_223 = arith.index_cast %add3A_222 : i32 to index
        %get3A_224 = arith.constant 0 : index
        %get3A_225 = tpu.vector_load %arg11[%get3A_223, %get3A_224] {strides = array<i32>} : memref<72x128xf32, #tpu.memory_space<vmem>>, vector<1x16xf32>,
        %get3A_226 = vector.shape_cast %get3A_225 : vector<1x16xf32> to vector<16xf32>
        %max3A_227 = arith.maximumf %max3A_203, %get3A_226 : vector<16xf32>
        %get3A_228 = arith.index_cast %add3A_222 : i32 to index
        %get3A_229 = arith.constant 16 : index
        %get3A_230 = tpu.vector_load %arg11[%get3A_228, %get3A_229] {strides = array<i32>} : memref<72x128xf32, #tpu.memory_space<vmem>>, vector<1x16xf32>,
        %get3A_231 = vector.shape_cast %get3A_230 : vector<1x16xf32> to vector<16xf32>
        %max3A_232 = arith.maximumf %max3A_208, %get3A_231 : vector<16xf32>
        %get3A_233 = arith.index_cast %add3A_222 : i32 to index
        %get3A_234 = arith.constant 32 : index
        %get3A_235 = tpu.vector_load %arg11[%get3A_233, %get3A_234] {strides = array<i32>} : memref<72x128xf32, #tpu.memory_space<vmem>>, vector<1x16xf32>,
        %get3A_236 = vector.shape_cast %get3A_235 : vector<1x16xf32> to vector<16xf32>
        %max3A_237 = arith.maximumf %max3A_213, %get3A_236 : vector<16xf32>
        %get3A_238 = arith.index_cast %add3A_222 : i32 to index
        %get3A_239 = arith.constant 48 : index
        %get3A_240 = tpu.vector_load %arg11[%get3A_238, %get3A_239] {strides = array<i32>} : memref<72x128xf32, #tpu.memory_space<vmem>>, vector<1x16xf32>,
        %get3A_241 = vector.shape_cast %get3A_240 : vector<1x16xf32> to vector<16xf32>
        %max3A_242 = arith.maximumf %max3A_218, %get3A_241 : vector<16xf32>
        %mul3A_243 = arith.constant 8 : i32
        %mul3A_244 = arith.muli %scan3A_168, %mul3A_243 : i32
        %add3A_245 = arith.constant 3 : i32
        %add3A_246 = arith.addi %mul3A_244, %add3A_245 : i32
        %get3A_247 = arith.index_cast %add3A_246 : i32 to index
        %get3A_248 = arith.constant 0 : index
        %get3A_249 = tpu.vector_load %arg11[%get3A_247, %get3A_248] {strides = array<i32>} : memref<72x128xf32, #tpu.memory_space<vmem>>, vector<1x16xf32>,
        %get3A_250 = vector.shape_cast %get3A_249 : vector<1x16xf32> to vector<16xf32>
        %max3A_251 = arith.maximumf %max3A_227, %get3A_250 : vector<16xf32>
        %get3A_252 = arith.index_cast %add3A_246 : i32 to index
        %get3A_253 = arith.constant 16 : index
        %get3A_254 = tpu.vector_load %arg11[%get3A_252, %get3A_253] {strides = array<i32>} : memref<72x128xf32, #tpu.memory_space<vmem>>, vector<1x16xf32>,
        %get3A_255 = vector.shape_cast %get3A_254 : vector<1x16xf32> to vector<16xf32>
        %max3A_256 = arith.maximumf %max3A_232, %get3A_255 : vector<16xf32>
        %get3A_257 = arith.index_cast %add3A_246 : i32 to index
        %get3A_258 = arith.constant 32 : index
        %get3A_259 = tpu.vector_load %arg11[%get3A_257, %get3A_258] {strides = array<i32>} : memref<72x128xf32, #tpu.memory_space<vmem>>, vector<1x16xf32>,
        %get3A_260 = vector.shape_cast %get3A_259 : vector<1x16xf32> to vector<16xf32>
        %max3A_261 = arith.maximumf %max3A_237, %get3A_260 : vector<16xf32>
        %get3A_262 = arith.index_cast %add3A_246 : i32 to index
        %get3A_263 = arith.constant 48 : index
        %get3A_264 = tpu.vector_load %arg11[%get3A_262, %get3A_263] {strides = array<i32>} : memref<72x128xf32, #tpu.memory_space<vmem>>, vector<1x16xf32>,
        %get3A_265 = vector.shape_cast %get3A_264 : vector<1x16xf32> to vector<16xf32>
        %max3A_266 = arith.maximumf %max3A_242, %get3A_265 : vector<16xf32>
        %mul3A_267 = arith.constant 8 : i32
        %mul3A_268 = arith.muli %scan3A_168, %mul3A_267 : i32
        %add3A_269 = arith.constant 4 : i32
        %add3A_270 = arith.addi %mul3A_268, %add3A_269 : i32
        %get3A_271 = arith.index_cast %add3A_270 : i32 to index
        %get3A_272 = arith.constant 0 : index
        %get3A_273 = tpu.vector_load %arg11[%get3A_271, %get3A_272] {strides = array<i32>} : memref<72x128xf32, #tpu.memory_space<vmem>>, vector<1x16xf32>,
        %get3A_274 = vector.shape_cast %get3A_273 : vector<1x16xf32> to vector<16xf32>
        %max3A_275 = arith.maximumf %max3A_251, %get3A_274 : vector<16xf32>
        %get3A_276 = arith.index_cast %add3A_270 : i32 to index
        %get3A_277 = arith.constant 16 : index
        %get3A_278 = tpu.vector_load %arg11[%get3A_276, %get3A_277] {strides = array<i32>} : memref<72x128xf32, #tpu.memory_space<vmem>>, vector<1x16xf32>,
        %get3A_279 = vector.shape_cast %get3A_278 : vector<1x16xf32> to vector<16xf32>
        %max3A_280 = arith.maximumf %max3A_256, %get3A_279 : vector<16xf32>
        %get3A_281 = arith.index_cast %add3A_270 : i32 to index
        %get3A_282 = arith.constant 32 : index
        %get3A_283 = tpu.vector_load %arg11[%get3A_281, %get3A_282] {strides = array<i32>} : memref<72x128xf32, #tpu.memory_space<vmem>>, vector<1x16xf32>,
        %get3A_284 = vector.shape_cast %get3A_283 : vector<1x16xf32> to vector<16xf32>
        %max3A_285 = arith.maximumf %max3A_261, %get3A_284 : vector<16xf32>
        %get3A_286 = arith.index_cast %add3A_270 : i32 to index
        %get3A_287 = arith.constant 48 : index
        %get3A_288 = tpu.vector_load %arg11[%get3A_286, %get3A_287] {strides = array<i32>} : memref<72x128xf32, #tpu.memory_space<vmem>>, vector<1x16xf32>,
        %get3A_289 = vector.shape_cast %get3A_288 : vector<1x16xf32> to vector<16xf32>
        %max3A_290 = arith.maximumf %max3A_266, %get3A_289 : vector<16xf32>
        %mul3A_291 = arith.constant 8 : i32
        %mul3A_292 = arith.muli %scan3A_168, %mul3A_291 : i32
        %add3A_293 = arith.constant 5 : i32
        %add3A_294 = arith.addi %mul3A_292, %add3A_293 : i32
        %get3A_295 = arith.index_cast %add3A_294 : i32 to index
        %get3A_296 = arith.constant 0 : index
        %get3A_297 = tpu.vector_load %arg11[%get3A_295, %get3A_296] {strides = array<i32>} : memref<72x128xf32, #tpu.memory_space<vmem>>, vector<1x16xf32>,
        %get3A_298 = vector.shape_cast %get3A_297 : vector<1x16xf32> to vector<16xf32>
        %max3A_299 = arith.maximumf %max3A_275, %get3A_298 : vector<16xf32>
        %get3A_300 = arith.index_cast %add3A_294 : i32 to index
        %get3A_301 = arith.constant 16 : index
        %get3A_302 = tpu.vector_load %arg11[%get3A_300, %get3A_301] {strides = array<i32>} : memref<72x128xf32, #tpu.memory_space<vmem>>, vector<1x16xf32>,
        %get3A_303 = vector.shape_cast %get3A_302 : vector<1x16xf32> to vector<16xf32>
        %max3A_304 = arith.maximumf %max3A_280, %get3A_303 : vector<16xf32>
        %get3A_305 = arith.index_cast %add3A_294 : i32 to index
        %get3A_306 = arith.constant 32 : index
        %get3A_307 = tpu.vector_load %arg11[%get3A_305, %get3A_306] {strides = array<i32>} : memref<72x128xf32, #tpu.memory_space<vmem>>, vector<1x16xf32>,
        %get3A_308 = vector.shape_cast %get3A_307 : vector<1x16xf32> to vector<16xf32>
        %max3A_309 = arith.maximumf %max3A_285, %get3A_308 : vector<16xf32>
        %get3A_310 = arith.index_cast %add3A_294 : i32 to index
        %get3A_311 = arith.constant 48 : index
        %get3A_312 = tpu.vector_load %arg11[%get3A_310, %get3A_311] {strides = array<i32>} : memref<72x128xf32, #tpu.memory_space<vmem>>, vector<1x16xf32>,
        %get3A_313 = vector.shape_cast %get3A_312 : vector<1x16xf32> to vector<16xf32>
        %max3A_314 = arith.maximumf %max3A_290, %get3A_313 : vector<16xf32>
        %mul3A_315 = arith.constant 8 : i32
        %mul3A_316 = arith.muli %scan3A_168, %mul3A_315 : i32
        %add3A_317 = arith.constant 6 : i32
        %add3A_318 = arith.addi %mul3A_316, %add3A_317 : i32
        %get3A_319 = arith.index_cast %add3A_318 : i32 to index
        %get3A_320 = arith.constant 0 : index
        %get3A_321 = tpu.vector_load %arg11[%get3A_319, %get3A_320] {strides = array<i32>} : memref<72x128xf32, #tpu.memory_space<vmem>>, vector<1x16xf32>,
        %get3A_322 = vector.shape_cast %get3A_321 : vector<1x16xf32> to vector<16xf32>
        %max3A_323 = arith.maximumf %max3A_299, %get3A_322 : vector<16xf32>
        %get3A_324 = arith.index_cast %add3A_318 : i32 to index
        %get3A_325 = arith.constant 16 : index
        %get3A_326 = tpu.vector_load %arg11[%get3A_324, %get3A_325] {strides = array<i32>} : memref<72x128xf32, #tpu.memory_space<vmem>>, vector<1x16xf32>,
        %get3A_327 = vector.shape_cast %get3A_326 : vector<1x16xf32> to vector<16xf32>
        %max3A_328 = arith.maximumf %max3A_304, %get3A_327 : vector<16xf32>
        %get3A_329 = arith.index_cast %add3A_318 : i32 to index
        %get3A_330 = arith.constant 32 : index
        %get3A_331 = tpu.vector_load %arg11[%get3A_329, %get3A_330] {strides = array<i32>} : memref<72x128xf32, #tpu.memory_space<vmem>>, vector<1x16xf32>,
        %get3A_332 = vector.shape_cast %get3A_331 : vector<1x16xf32> to vector<16xf32>
        %max3A_333 = arith.maximumf %max3A_309, %get3A_332 : vector<16xf32>
        %get3A_334 = arith.index_cast %add3A_318 : i32 to index
        %get3A_335 = arith.constant 48 : index
        %get3A_336 = tpu.vector_load %arg11[%get3A_334, %get3A_335] {strides = array<i32>} : memref<72x128xf32, #tpu.memory_space<vmem>>, vector<1x16xf32>,
        %get3A_337 = vector.shape_cast %get3A_336 : vector<1x16xf32> to vector<16xf32>
        %max3A_338 = arith.maximumf %max3A_314, %get3A_337 : vector<16xf32>
        %mul3A_339 = arith.constant 8 : i32
        %mul3A_340 = arith.muli %scan3A_168, %mul3A_339 : i32
        %add3A_341 = arith.constant 7 : i32
        %add3A_342 = arith.addi %mul3A_340, %add3A_341 : i32
        %get3A_343 = arith.index_cast %add3A_342 : i32 to index
        %get3A_344 = arith.constant 0 : index
        %get3A_345 = tpu.vector_load %arg11[%get3A_343, %get3A_344] {strides = array<i32>} : memref<72x128xf32, #tpu.memory_space<vmem>>, vector<1x16xf32>,
        %get3A_346 = vector.shape_cast %get3A_345 : vector<1x16xf32> to vector<16xf32>
        %max3A_347 = arith.maximumf %max3A_323, %get3A_346 : vector<16xf32>
        %get3A_348 = arith.index_cast %add3A_342 : i32 to index
        %get3A_349 = arith.constant 16 : index
        %get3A_350 = tpu.vector_load %arg11[%get3A_348, %get3A_349] {strides = array<i32>} : memref<72x128xf32, #tpu.memory_space<vmem>>, vector<1x16xf32>,
        %get3A_351 = vector.shape_cast %get3A_350 : vector<1x16xf32> to vector<16xf32>
        %max3A_352 = arith.maximumf %max3A_328, %get3A_351 : vector<16xf32>
        %get3A_353 = arith.index_cast %add3A_342 : i32 to index
        %get3A_354 = arith.constant 32 : index
        %get3A_355 = tpu.vector_load %arg11[%get3A_353, %get3A_354] {strides = array<i32>} : memref<72x128xf32, #tpu.memory_space<vmem>>, vector<1x16xf32>,
        %get3A_356 = vector.shape_cast %get3A_355 : vector<1x16xf32> to vector<16xf32>
        %max3A_357 = arith.maximumf %max3A_333, %get3A_356 : vector<16xf32>
        %get3A_358 = arith.index_cast %add3A_342 : i32 to index
        %get3A_359 = arith.constant 48 : index
        %get3A_360 = tpu.vector_load %arg11[%get3A_358, %get3A_359] {strides = array<i32>} : memref<72x128xf32, #tpu.memory_space<vmem>>, vector<1x16xf32>,
        %get3A_361 = vector.shape_cast %get3A_360 : vector<1x16xf32> to vector<16xf32>
        %max3A_362 = arith.maximumf %max3A_338, %get3A_361 : vector<16xf32>
        scf.yield %max3A_347, %max3A_352, %max3A_357, %max3A_362 : vector<16xf32>, vector<16xf32>, vector<16xf32>, vector<16xf32>
      }
      %scan3A_69 = arith.constant 9 : i32
      %add3A_70 = arith.constant 2 : i32
      %add3A_71 = arith.addi %add3A_46, %add3A_70 : i32
      %lt3A = arith.constant 128 : i32
      %lt3A_72 = arith.cmpi slt, %add3A_71, %lt3A : i32
      %convert_element_type3A = arith.extui %lt3A_72 : i1 to i32
      %cond3A = arith.constant 0 : i32
      %cond3A_73 = arith.cmpi ne, %convert_element_type3A, %cond3A : i32
      scf.if %cond3A_73 {
        %add3A_168 = arith.constant 2 : i32
        %add3A_169 = arith.addi %add3A_46, %add3A_168 : i32
        %dma_start3A_170 = arith.constant 0 : i32
        %dma_start3A_171 = tpu.memref_slice %arg6[%add3A_169, %dma_start3A_170] : memref<128x128xi32, #tpu.memory_space<vmem>> -> memref<1x128xi32, #tpu.memory_space<vmem>>
        %dma_start3A_172 = tpu.memref_squeeze %dma_start3A_171 : memref<1x128xi32, #tpu.memory_space<vmem>> -> memref<128xi32, #tpu.memory_space<vmem>>
        %dma_start3A_173 = arith.constant 0 : i32
        %dma_start3A_174 = arith.constant 0 : i32
        %dma_start3A_175 = tpu.memref_slice %arg4[%dma_start3A_173, %dma_start3A_174] : memref<100000x128xf32, #tpu.memory_space<hbm>> -> memref<100000x128xf32, #tpu.memory_space<hbm>>
        tpu.enqueue_indirect_dma source(%dma_start3A_175 : memref<100000x128xf32, #tpu.memory_space<hbm>>) target(%arg9 : memref<128x128xf32, #tpu.memory_space<vmem>>) offsets(%dma_start3A_172 : memref<128xi32, #tpu.memory_space<vmem>>) semaphore(%arg13 : memref<!tpu.dma_semaphore, #tpu.memory_space<semaphore_mem>>)
        %add3A_176 = arith.constant 2 : i32
        %add3A_177 = arith.addi %add3A_46, %add3A_176 : i32
        %dma_start3A_178 = arith.constant 0 : i32
        %dma_start3A_179 = tpu.memref_slice %arg7[%add3A_177, %dma_start3A_178] : memref<128x128xi32, #tpu.memory_space<vmem>> -> memref<1x72xi32, #tpu.memory_space<vmem>>
        %dma_start3A_180 = tpu.memref_squeeze %dma_start3A_179 : memref<1x72xi32, #tpu.memory_space<vmem>> -> memref<72xi32, #tpu.memory_space<vmem>>
        %dma_start3A_181 = arith.constant 0 : i32
        %dma_start3A_182 = arith.constant 0 : i32
        %dma_start3A_183 = tpu.memref_slice %arg4[%dma_start3A_181, %dma_start3A_182] : memref<100000x128xf32, #tpu.memory_space<hbm>> -> memref<100000x128xf32, #tpu.memory_space<hbm>>
        tpu.enqueue_indirect_dma source(%dma_start3A_183 : memref<100000x128xf32, #tpu.memory_space<hbm>>) target(%arg11 : memref<72x128xf32, #tpu.memory_space<vmem>>) offsets(%dma_start3A_180 : memref<72xi32, #tpu.memory_space<vmem>>) semaphore(%arg15 : memref<!tpu.dma_semaphore, #tpu.memory_space<semaphore_mem>>)
      } else {
      }
      %mul3A_74 = arith.constant 64 : i32
      %mul3A_75 = arith.muli %add3A_46, %mul3A_74 : i32
      %swap3A = arith.index_cast %mul3A_75 : i32 to index
      %swap3A_76 = tpu.vector_load %arg8[%swap3A] {strides = array<i32>} : memref<8192xf32, #tpu.memory_space<vmem>>, vector<16xf32>,
      %swap3A_77 = vector.shape_cast %swap3A_76 : vector<16xf32> to vector<16xf32>
      %swap3A_78 = vector.shape_cast %scan3A_68#0 : vector<16xf32> to vector<16xf32>
      tpu.vector_store %arg8[%swap3A], %swap3A_78 {strides = array<i32>} : memref<8192xf32, #tpu.memory_space<vmem>>, vector<16xf32>,
      %mul3A_79 = arith.constant 64 : i32
      %mul3A_80 = arith.muli %add3A_46, %mul3A_79 : i32
      %add3A_81 = arith.constant 16 : i32
      %add3A_82 = arith.addi %mul3A_80, %add3A_81 : i32
      %swap3A_83 = arith.index_cast %add3A_82 : i32 to index
      %swap3A_84 = tpu.vector_load %arg8[%swap3A_83] {strides = array<i32>} : memref<8192xf32, #tpu.memory_space<vmem>>, vector<16xf32>,
      %swap3A_85 = vector.shape_cast %swap3A_84 : vector<16xf32> to vector<16xf32>
      %swap3A_86 = vector.shape_cast %scan3A_68#1 : vector<16xf32> to vector<16xf32>
      tpu.vector_store %arg8[%swap3A_83], %swap3A_86 {strides = array<i32>} : memref<8192xf32, #tpu.memory_space<vmem>>, vector<16xf32>,
      %mul3A_87 = arith.constant 64 : i32
      %mul3A_88 = arith.muli %add3A_46, %mul3A_87 : i32
      %add3A_89 = arith.constant 32 : i32
      %add3A_90 = arith.addi %mul3A_88, %add3A_89 : i32
      %swap3A_91 = arith.index_cast %add3A_90 : i32 to index
      %swap3A_92 = tpu.vector_load %arg8[%swap3A_91] {strides = array<i32>} : memref<8192xf32, #tpu.memory_space<vmem>>, vector<16xf32>,
      %swap3A_93 = vector.shape_cast %swap3A_92 : vector<16xf32> to vector<16xf32>
      %swap3A_94 = vector.shape_cast %scan3A_68#2 : vector<16xf32> to vector<16xf32>
      tpu.vector_store %arg8[%swap3A_91], %swap3A_94 {strides = array<i32>} : memref<8192xf32, #tpu.memory_space<vmem>>, vector<16xf32>,
      %mul3A_95 = arith.constant 64 : i32
      %mul3A_96 = arith.muli %add3A_46, %mul3A_95 : i32
      %add3A_97 = arith.constant 48 : i32
      %add3A_98 = arith.addi %mul3A_96, %add3A_97 : i32
      %swap3A_99 = arith.index_cast %add3A_98 : i32 to index
      %swap3A_100 = tpu.vector_load %arg8[%swap3A_99] {strides = array<i32>} : memref<8192xf32, #tpu.memory_space<vmem>>, vector<16xf32>,
      %swap3A_101 = vector.shape_cast %swap3A_100 : vector<16xf32> to vector<16xf32>
      %swap3A_102 = vector.shape_cast %scan3A_68#3 : vector<16xf32> to vector<16xf32>
      tpu.vector_store %arg8[%swap3A_99], %swap3A_102 {strides = array<i32>} : memref<8192xf32, #tpu.memory_space<vmem>>, vector<16xf32>,
      %mul3A_103 = arith.constant 2 : i32
      %mul3A_104 = arith.muli %mul3A_103, %scan3A_42 : i32
      %add3A_105 = arith.constant 1 : i32
      %add3A_106 = arith.addi %mul3A_104, %add3A_105 : i32
      %dma_wait3A_107 = arith.constant 0 : i32
      %dma_wait3A_108 = tpu.memref_slice %arg6[%add3A_106, %dma_wait3A_107] : memref<128x128xi32, #tpu.memory_space<vmem>> -> memref<1x128xi32, #tpu.memory_space<vmem>>
      %dma_wait3A_109 = tpu.memref_squeeze %dma_wait3A_108 : memref<1x128xi32, #tpu.memory_space<vmem>> -> memref<128xi32, #tpu.memory_space<vmem>>
      %dma_wait3A_110 = arith.constant 0 : i32
      %dma_wait3A_111 = arith.constant 0 : i32
      %dma_wait3A_112 = tpu.memref_slice %arg4[%dma_wait3A_110, %dma_wait3A_111] : memref<100000x128xf32, #tpu.memory_space<hbm>> -> memref<100000x128xf32, #tpu.memory_space<hbm>>
      tpu.wait_indirect_dma semaphore(%arg14 : memref<!tpu.dma_semaphore, #tpu.memory_space<semaphore_mem>>) src(%dma_wait3A_112 : memref<100000x128xf32, #tpu.memory_space<hbm>>) dst(%arg10 : memref<128x128xf32, #tpu.memory_space<vmem>>)
      %scan3A_113 = arith.constant 0 : i32
      %scan3A_114 = arith.constant 16 : i32
      %scan3A_115 = arith.addi %scan3A_113, %scan3A_114 : i32
      %scan3A_116 = arith.constant 1 : i32
      %scan3A_117:4 = scf.for %scan3A_168 = %scan3A_113 to %scan3A_115 step %scan3A_116 iter_args(%scan3A_169 = %broadcast_in_dim3A_32, %scan3A_170 = %broadcast_in_dim3A_32, %scan3A_171 = %broadcast_in_dim3A_32, %scan3A_172 = %broadcast_in_dim3A_32) -> (vector<16xf32>, vector<16xf32>, vector<16xf32>, vector<16xf32>)  : i32 {
        %mul3A_173 = arith.constant 8 : i32
        %mul3A_174 = arith.muli %scan3A_168, %mul3A_173 : i32
        %add3A_175 = arith.constant 0 : i32
        %add3A_176 = arith.addi %mul3A_174, %add3A_175 : i32
        %get3A = arith.index_cast %add3A_176 : i32 to index
        %get3A_177 = arith.constant 0 : index
        %get3A_178 = tpu.vector_load %arg10[%get3A, %get3A_177] {strides = array<i32>} : memref<128x128xf32, #tpu.memory_space<vmem>>, vector<1x16xf32>,
        %get3A_179 = vector.shape_cast %get3A_178 : vector<1x16xf32> to vector<16xf32>
        %max3A = arith.maximumf %scan3A_169, %get3A_179 : vector<16xf32>
        %get3A_180 = arith.index_cast %add3A_176 : i32 to index
        %get3A_181 = arith.constant 16 : index
        %get3A_182 = tpu.vector_load %arg10[%get3A_180, %get3A_181] {strides = array<i32>} : memref<128x128xf32, #tpu.memory_space<vmem>>, vector<1x16xf32>,
        %get3A_183 = vector.shape_cast %get3A_182 : vector<1x16xf32> to vector<16xf32>
        %max3A_184 = arith.maximumf %scan3A_170, %get3A_183 : vector<16xf32>
        %get3A_185 = arith.index_cast %add3A_176 : i32 to index
        %get3A_186 = arith.constant 32 : index
        %get3A_187 = tpu.vector_load %arg10[%get3A_185, %get3A_186] {strides = array<i32>} : memref<128x128xf32, #tpu.memory_space<vmem>>, vector<1x16xf32>,
        %get3A_188 = vector.shape_cast %get3A_187 : vector<1x16xf32> to vector<16xf32>
        %max3A_189 = arith.maximumf %scan3A_171, %get3A_188 : vector<16xf32>
        %get3A_190 = arith.index_cast %add3A_176 : i32 to index
        %get3A_191 = arith.constant 48 : index
        %get3A_192 = tpu.vector_load %arg10[%get3A_190, %get3A_191] {strides = array<i32>} : memref<128x128xf32, #tpu.memory_space<vmem>>, vector<1x16xf32>,
        %get3A_193 = vector.shape_cast %get3A_192 : vector<1x16xf32> to vector<16xf32>
        %max3A_194 = arith.maximumf %scan3A_172, %get3A_193 : vector<16xf32>
        %mul3A_195 = arith.constant 8 : i32
        %mul3A_196 = arith.muli %scan3A_168, %mul3A_195 : i32
        %add3A_197 = arith.constant 1 : i32
        %add3A_198 = arith.addi %mul3A_196, %add3A_197 : i32
        %get3A_199 = arith.index_cast %add3A_198 : i32 to index
        %get3A_200 = arith.constant 0 : index
        %get3A_201 = tpu.vector_load %arg10[%get3A_199, %get3A_200] {strides = array<i32>} : memref<128x128xf32, #tpu.memory_space<vmem>>, vector<1x16xf32>,
        %get3A_202 = vector.shape_cast %get3A_201 : vector<1x16xf32> to vector<16xf32>
        %max3A_203 = arith.maximumf %max3A, %get3A_202 : vector<16xf32>
        %get3A_204 = arith.index_cast %add3A_198 : i32 to index
        %get3A_205 = arith.constant 16 : index
        %get3A_206 = tpu.vector_load %arg10[%get3A_204, %get3A_205] {strides = array<i32>} : memref<128x128xf32, #tpu.memory_space<vmem>>, vector<1x16xf32>,
        %get3A_207 = vector.shape_cast %get3A_206 : vector<1x16xf32> to vector<16xf32>
        %max3A_208 = arith.maximumf %max3A_184, %get3A_207 : vector<16xf32>
        %get3A_209 = arith.index_cast %add3A_198 : i32 to index
        %get3A_210 = arith.constant 32 : index
        %get3A_211 = tpu.vector_load %arg10[%get3A_209, %get3A_210] {strides = array<i32>} : memref<128x128xf32, #tpu.memory_space<vmem>>, vector<1x16xf32>,
        %get3A_212 = vector.shape_cast %get3A_211 : vector<1x16xf32> to vector<16xf32>
        %max3A_213 = arith.maximumf %max3A_189, %get3A_212 : vector<16xf32>
        %get3A_214 = arith.index_cast %add3A_198 : i32 to index
        %get3A_215 = arith.constant 48 : index
        %get3A_216 = tpu.vector_load %arg10[%get3A_214, %get3A_215] {strides = array<i32>} : memref<128x128xf32, #tpu.memory_space<vmem>>, vector<1x16xf32>,
        %get3A_217 = vector.shape_cast %get3A_216 : vector<1x16xf32> to vector<16xf32>
        %max3A_218 = arith.maximumf %max3A_194, %get3A_217 : vector<16xf32>
        %mul3A_219 = arith.constant 8 : i32
        %mul3A_220 = arith.muli %scan3A_168, %mul3A_219 : i32
        %add3A_221 = arith.constant 2 : i32
        %add3A_222 = arith.addi %mul3A_220, %add3A_221 : i32
        %get3A_223 = arith.index_cast %add3A_222 : i32 to index
        %get3A_224 = arith.constant 0 : index
        %get3A_225 = tpu.vector_load %arg10[%get3A_223, %get3A_224] {strides = array<i32>} : memref<128x128xf32, #tpu.memory_space<vmem>>, vector<1x16xf32>,
        %get3A_226 = vector.shape_cast %get3A_225 : vector<1x16xf32> to vector<16xf32>
        %max3A_227 = arith.maximumf %max3A_203, %get3A_226 : vector<16xf32>
        %get3A_228 = arith.index_cast %add3A_222 : i32 to index
        %get3A_229 = arith.constant 16 : index
        %get3A_230 = tpu.vector_load %arg10[%get3A_228, %get3A_229] {strides = array<i32>} : memref<128x128xf32, #tpu.memory_space<vmem>>, vector<1x16xf32>,
        %get3A_231 = vector.shape_cast %get3A_230 : vector<1x16xf32> to vector<16xf32>
        %max3A_232 = arith.maximumf %max3A_208, %get3A_231 : vector<16xf32>
        %get3A_233 = arith.index_cast %add3A_222 : i32 to index
        %get3A_234 = arith.constant 32 : index
        %get3A_235 = tpu.vector_load %arg10[%get3A_233, %get3A_234] {strides = array<i32>} : memref<128x128xf32, #tpu.memory_space<vmem>>, vector<1x16xf32>,
        %get3A_236 = vector.shape_cast %get3A_235 : vector<1x16xf32> to vector<16xf32>
        %max3A_237 = arith.maximumf %max3A_213, %get3A_236 : vector<16xf32>
        %get3A_238 = arith.index_cast %add3A_222 : i32 to index
        %get3A_239 = arith.constant 48 : index
        %get3A_240 = tpu.vector_load %arg10[%get3A_238, %get3A_239] {strides = array<i32>} : memref<128x128xf32, #tpu.memory_space<vmem>>, vector<1x16xf32>,
        %get3A_241 = vector.shape_cast %get3A_240 : vector<1x16xf32> to vector<16xf32>
        %max3A_242 = arith.maximumf %max3A_218, %get3A_241 : vector<16xf32>
        %mul3A_243 = arith.constant 8 : i32
        %mul3A_244 = arith.muli %scan3A_168, %mul3A_243 : i32
        %add3A_245 = arith.constant 3 : i32
        %add3A_246 = arith.addi %mul3A_244, %add3A_245 : i32
        %get3A_247 = arith.index_cast %add3A_246 : i32 to index
        %get3A_248 = arith.constant 0 : index
        %get3A_249 = tpu.vector_load %arg10[%get3A_247, %get3A_248] {strides = array<i32>} : memref<128x128xf32, #tpu.memory_space<vmem>>, vector<1x16xf32>,
        %get3A_250 = vector.shape_cast %get3A_249 : vector<1x16xf32> to vector<16xf32>
        %max3A_251 = arith.maximumf %max3A_227, %get3A_250 : vector<16xf32>
        %get3A_252 = arith.index_cast %add3A_246 : i32 to index
        %get3A_253 = arith.constant 16 : index
        %get3A_254 = tpu.vector_load %arg10[%get3A_252, %get3A_253] {strides = array<i32>} : memref<128x128xf32, #tpu.memory_space<vmem>>, vector<1x16xf32>,
        %get3A_255 = vector.shape_cast %get3A_254 : vector<1x16xf32> to vector<16xf32>
        %max3A_256 = arith.maximumf %max3A_232, %get3A_255 : vector<16xf32>
        %get3A_257 = arith.index_cast %add3A_246 : i32 to index
        %get3A_258 = arith.constant 32 : index
        %get3A_259 = tpu.vector_load %arg10[%get3A_257, %get3A_258] {strides = array<i32>} : memref<128x128xf32, #tpu.memory_space<vmem>>, vector<1x16xf32>,
        %get3A_260 = vector.shape_cast %get3A_259 : vector<1x16xf32> to vector<16xf32>
        %max3A_261 = arith.maximumf %max3A_237, %get3A_260 : vector<16xf32>
        %get3A_262 = arith.index_cast %add3A_246 : i32 to index
        %get3A_263 = arith.constant 48 : index
        %get3A_264 = tpu.vector_load %arg10[%get3A_262, %get3A_263] {strides = array<i32>} : memref<128x128xf32, #tpu.memory_space<vmem>>, vector<1x16xf32>,
        %get3A_265 = vector.shape_cast %get3A_264 : vector<1x16xf32> to vector<16xf32>
        %max3A_266 = arith.maximumf %max3A_242, %get3A_265 : vector<16xf32>
        %mul3A_267 = arith.constant 8 : i32
        %mul3A_268 = arith.muli %scan3A_168, %mul3A_267 : i32
        %add3A_269 = arith.constant 4 : i32
        %add3A_270 = arith.addi %mul3A_268, %add3A_269 : i32
        %get3A_271 = arith.index_cast %add3A_270 : i32 to index
        %get3A_272 = arith.constant 0 : index
        %get3A_273 = tpu.vector_load %arg10[%get3A_271, %get3A_272] {strides = array<i32>} : memref<128x128xf32, #tpu.memory_space<vmem>>, vector<1x16xf32>,
        %get3A_274 = vector.shape_cast %get3A_273 : vector<1x16xf32> to vector<16xf32>
        %max3A_275 = arith.maximumf %max3A_251, %get3A_274 : vector<16xf32>
        %get3A_276 = arith.index_cast %add3A_270 : i32 to index
        %get3A_277 = arith.constant 16 : index
        %get3A_278 = tpu.vector_load %arg10[%get3A_276, %get3A_277] {strides = array<i32>} : memref<128x128xf32, #tpu.memory_space<vmem>>, vector<1x16xf32>,
        %get3A_279 = vector.shape_cast %get3A_278 : vector<1x16xf32> to vector<16xf32>
        %max3A_280 = arith.maximumf %max3A_256, %get3A_279 : vector<16xf32>
        %get3A_281 = arith.index_cast %add3A_270 : i32 to index
        %get3A_282 = arith.constant 32 : index
        %get3A_283 = tpu.vector_load %arg10[%get3A_281, %get3A_282] {strides = array<i32>} : memref<128x128xf32, #tpu.memory_space<vmem>>, vector<1x16xf32>,
        %get3A_284 = vector.shape_cast %get3A_283 : vector<1x16xf32> to vector<16xf32>
        %max3A_285 = arith.maximumf %max3A_261, %get3A_284 : vector<16xf32>
        %get3A_286 = arith.index_cast %add3A_270 : i32 to index
        %get3A_287 = arith.constant 48 : index
        %get3A_288 = tpu.vector_load %arg10[%get3A_286, %get3A_287] {strides = array<i32>} : memref<128x128xf32, #tpu.memory_space<vmem>>, vector<1x16xf32>,
        %get3A_289 = vector.shape_cast %get3A_288 : vector<1x16xf32> to vector<16xf32>
        %max3A_290 = arith.maximumf %max3A_266, %get3A_289 : vector<16xf32>
        %mul3A_291 = arith.constant 8 : i32
        %mul3A_292 = arith.muli %scan3A_168, %mul3A_291 : i32
        %add3A_293 = arith.constant 5 : i32
        %add3A_294 = arith.addi %mul3A_292, %add3A_293 : i32
        %get3A_295 = arith.index_cast %add3A_294 : i32 to index
        %get3A_296 = arith.constant 0 : index
        %get3A_297 = tpu.vector_load %arg10[%get3A_295, %get3A_296] {strides = array<i32>} : memref<128x128xf32, #tpu.memory_space<vmem>>, vector<1x16xf32>,
        %get3A_298 = vector.shape_cast %get3A_297 : vector<1x16xf32> to vector<16xf32>
        %max3A_299 = arith.maximumf %max3A_275, %get3A_298 : vector<16xf32>
        %get3A_300 = arith.index_cast %add3A_294 : i32 to index
        %get3A_301 = arith.constant 16 : index
        %get3A_302 = tpu.vector_load %arg10[%get3A_300, %get3A_301] {strides = array<i32>} : memref<128x128xf32, #tpu.memory_space<vmem>>, vector<1x16xf32>,
        %get3A_303 = vector.shape_cast %get3A_302 : vector<1x16xf32> to vector<16xf32>
        %max3A_304 = arith.maximumf %max3A_280, %get3A_303 : vector<16xf32>
        %get3A_305 = arith.index_cast %add3A_294 : i32 to index
        %get3A_306 = arith.constant 32 : index
        %get3A_307 = tpu.vector_load %arg10[%get3A_305, %get3A_306] {strides = array<i32>} : memref<128x128xf32, #tpu.memory_space<vmem>>, vector<1x16xf32>,
        %get3A_308 = vector.shape_cast %get3A_307 : vector<1x16xf32> to vector<16xf32>
        %max3A_309 = arith.maximumf %max3A_285, %get3A_308 : vector<16xf32>
        %get3A_310 = arith.index_cast %add3A_294 : i32 to index
        %get3A_311 = arith.constant 48 : index
        %get3A_312 = tpu.vector_load %arg10[%get3A_310, %get3A_311] {strides = array<i32>} : memref<128x128xf32, #tpu.memory_space<vmem>>, vector<1x16xf32>,
        %get3A_313 = vector.shape_cast %get3A_312 : vector<1x16xf32> to vector<16xf32>
        %max3A_314 = arith.maximumf %max3A_290, %get3A_313 : vector<16xf32>
        %mul3A_315 = arith.constant 8 : i32
        %mul3A_316 = arith.muli %scan3A_168, %mul3A_315 : i32
        %add3A_317 = arith.constant 6 : i32
        %add3A_318 = arith.addi %mul3A_316, %add3A_317 : i32
        %get3A_319 = arith.index_cast %add3A_318 : i32 to index
        %get3A_320 = arith.constant 0 : index
        %get3A_321 = tpu.vector_load %arg10[%get3A_319, %get3A_320] {strides = array<i32>} : memref<128x128xf32, #tpu.memory_space<vmem>>, vector<1x16xf32>,
        %get3A_322 = vector.shape_cast %get3A_321 : vector<1x16xf32> to vector<16xf32>
        %max3A_323 = arith.maximumf %max3A_299, %get3A_322 : vector<16xf32>
        %get3A_324 = arith.index_cast %add3A_318 : i32 to index
        %get3A_325 = arith.constant 16 : index
        %get3A_326 = tpu.vector_load %arg10[%get3A_324, %get3A_325] {strides = array<i32>} : memref<128x128xf32, #tpu.memory_space<vmem>>, vector<1x16xf32>,
        %get3A_327 = vector.shape_cast %get3A_326 : vector<1x16xf32> to vector<16xf32>
        %max3A_328 = arith.maximumf %max3A_304, %get3A_327 : vector<16xf32>
        %get3A_329 = arith.index_cast %add3A_318 : i32 to index
        %get3A_330 = arith.constant 32 : index
        %get3A_331 = tpu.vector_load %arg10[%get3A_329, %get3A_330] {strides = array<i32>} : memref<128x128xf32, #tpu.memory_space<vmem>>, vector<1x16xf32>,
        %get3A_332 = vector.shape_cast %get3A_331 : vector<1x16xf32> to vector<16xf32>
        %max3A_333 = arith.maximumf %max3A_309, %get3A_332 : vector<16xf32>
        %get3A_334 = arith.index_cast %add3A_318 : i32 to index
        %get3A_335 = arith.constant 48 : index
        %get3A_336 = tpu.vector_load %arg10[%get3A_334, %get3A_335] {strides = array<i32>} : memref<128x128xf32, #tpu.memory_space<vmem>>, vector<1x16xf32>,
        %get3A_337 = vector.shape_cast %get3A_336 : vector<1x16xf32> to vector<16xf32>
        %max3A_338 = arith.maximumf %max3A_314, %get3A_337 : vector<16xf32>
        %mul3A_339 = arith.constant 8 : i32
        %mul3A_340 = arith.muli %scan3A_168, %mul3A_339 : i32
        %add3A_341 = arith.constant 7 : i32
        %add3A_342 = arith.addi %mul3A_340, %add3A_341 : i32
        %get3A_343 = arith.index_cast %add3A_342 : i32 to index
        %get3A_344 = arith.constant 0 : index
        %get3A_345 = tpu.vector_load %arg10[%get3A_343, %get3A_344] {strides = array<i32>} : memref<128x128xf32, #tpu.memory_space<vmem>>, vector<1x16xf32>,
        %get3A_346 = vector.shape_cast %get3A_345 : vector<1x16xf32> to vector<16xf32>
        %max3A_347 = arith.maximumf %max3A_323, %get3A_346 : vector<16xf32>
        %get3A_348 = arith.index_cast %add3A_342 : i32 to index
        %get3A_349 = arith.constant 16 : index
        %get3A_350 = tpu.vector_load %arg10[%get3A_348, %get3A_349] {strides = array<i32>} : memref<128x128xf32, #tpu.memory_space<vmem>>, vector<1x16xf32>,
        %get3A_351 = vector.shape_cast %get3A_350 : vector<1x16xf32> to vector<16xf32>
        %max3A_352 = arith.maximumf %max3A_328, %get3A_351 : vector<16xf32>
        %get3A_353 = arith.index_cast %add3A_342 : i32 to index
        %get3A_354 = arith.constant 32 : index
        %get3A_355 = tpu.vector_load %arg10[%get3A_353, %get3A_354] {strides = array<i32>} : memref<128x128xf32, #tpu.memory_space<vmem>>, vector<1x16xf32>,
        %get3A_356 = vector.shape_cast %get3A_355 : vector<1x16xf32> to vector<16xf32>
        %max3A_357 = arith.maximumf %max3A_333, %get3A_356 : vector<16xf32>
        %get3A_358 = arith.index_cast %add3A_342 : i32 to index
        %get3A_359 = arith.constant 48 : index
        %get3A_360 = tpu.vector_load %arg10[%get3A_358, %get3A_359] {strides = array<i32>} : memref<128x128xf32, #tpu.memory_space<vmem>>, vector<1x16xf32>,
        %get3A_361 = vector.shape_cast %get3A_360 : vector<1x16xf32> to vector<16xf32>
        %max3A_362 = arith.maximumf %max3A_338, %get3A_361 : vector<16xf32>
        scf.yield %max3A_347, %max3A_352, %max3A_357, %max3A_362 : vector<16xf32>, vector<16xf32>, vector<16xf32>, vector<16xf32>
      }
      %scan3A_118 = arith.constant 16 : i32
      %dma_wait3A_119 = arith.constant 0 : i32
      %dma_wait3A_120 = tpu.memref_slice %arg7[%add3A_106, %dma_wait3A_119] : memref<128x128xi32, #tpu.memory_space<vmem>> -> memref<1x72xi32, #tpu.memory_space<vmem>>
      %dma_wait3A_121 = tpu.memref_squeeze %dma_wait3A_120 : memref<1x72xi32, #tpu.memory_space<vmem>> -> memref<72xi32, #tpu.memory_space<vmem>>
      %dma_wait3A_122 = arith.constant 0 : i32
      %dma_wait3A_123 = arith.constant 0 : i32
      %dma_wait3A_124 = tpu.memref_slice %arg4[%dma_wait3A_122, %dma_wait3A_123] : memref<100000x128xf32, #tpu.memory_space<hbm>> -> memref<100000x128xf32, #tpu.memory_space<hbm>>
      tpu.wait_indirect_dma semaphore(%arg16 : memref<!tpu.dma_semaphore, #tpu.memory_space<semaphore_mem>>) src(%dma_wait3A_124 : memref<100000x128xf32, #tpu.memory_space<hbm>>) dst(%arg12 : memref<72x128xf32, #tpu.memory_space<vmem>>)
      %scan3A_125 = arith.constant 0 : i32
      %scan3A_126 = arith.constant 9 : i32
      %scan3A_127 = arith.addi %scan3A_125, %scan3A_126 : i32
      %scan3A_128 = arith.constant 1 : i32
      %scan3A_129:4 = scf.for %scan3A_168 = %scan3A_125 to %scan3A_127 step %scan3A_128 iter_args(%scan3A_169 = %scan3A_117#0, %scan3A_170 = %scan3A_117#1, %scan3A_171 = %scan3A_117#2, %scan3A_172 = %scan3A_117#3) -> (vector<16xf32>, vector<16xf32>, vector<16xf32>, vector<16xf32>)  : i32 {
        %mul3A_173 = arith.constant 8 : i32
        %mul3A_174 = arith.muli %scan3A_168, %mul3A_173 : i32
        %add3A_175 = arith.constant 0 : i32
        %add3A_176 = arith.addi %mul3A_174, %add3A_175 : i32
        %get3A = arith.index_cast %add3A_176 : i32 to index
        %get3A_177 = arith.constant 0 : index
        %get3A_178 = tpu.vector_load %arg12[%get3A, %get3A_177] {strides = array<i32>} : memref<72x128xf32, #tpu.memory_space<vmem>>, vector<1x16xf32>,
        %get3A_179 = vector.shape_cast %get3A_178 : vector<1x16xf32> to vector<16xf32>
        %max3A = arith.maximumf %scan3A_169, %get3A_179 : vector<16xf32>
        %get3A_180 = arith.index_cast %add3A_176 : i32 to index
        %get3A_181 = arith.constant 16 : index
        %get3A_182 = tpu.vector_load %arg12[%get3A_180, %get3A_181] {strides = array<i32>} : memref<72x128xf32, #tpu.memory_space<vmem>>, vector<1x16xf32>,
        %get3A_183 = vector.shape_cast %get3A_182 : vector<1x16xf32> to vector<16xf32>
        %max3A_184 = arith.maximumf %scan3A_170, %get3A_183 : vector<16xf32>
        %get3A_185 = arith.index_cast %add3A_176 : i32 to index
        %get3A_186 = arith.constant 32 : index
        %get3A_187 = tpu.vector_load %arg12[%get3A_185, %get3A_186] {strides = array<i32>} : memref<72x128xf32, #tpu.memory_space<vmem>>, vector<1x16xf32>,
        %get3A_188 = vector.shape_cast %get3A_187 : vector<1x16xf32> to vector<16xf32>
        %max3A_189 = arith.maximumf %scan3A_171, %get3A_188 : vector<16xf32>
        %get3A_190 = arith.index_cast %add3A_176 : i32 to index
        %get3A_191 = arith.constant 48 : index
        %get3A_192 = tpu.vector_load %arg12[%get3A_190, %get3A_191] {strides = array<i32>} : memref<72x128xf32, #tpu.memory_space<vmem>>, vector<1x16xf32>,
        %get3A_193 = vector.shape_cast %get3A_192 : vector<1x16xf32> to vector<16xf32>
        %max3A_194 = arith.maximumf %scan3A_172, %get3A_193 : vector<16xf32>
        %mul3A_195 = arith.constant 8 : i32
        %mul3A_196 = arith.muli %scan3A_168, %mul3A_195 : i32
        %add3A_197 = arith.constant 1 : i32
        %add3A_198 = arith.addi %mul3A_196, %add3A_197 : i32
        %get3A_199 = arith.index_cast %add3A_198 : i32 to index
        %get3A_200 = arith.constant 0 : index
        %get3A_201 = tpu.vector_load %arg12[%get3A_199, %get3A_200] {strides = array<i32>} : memref<72x128xf32, #tpu.memory_space<vmem>>, vector<1x16xf32>,
        %get3A_202 = vector.shape_cast %get3A_201 : vector<1x16xf32> to vector<16xf32>
        %max3A_203 = arith.maximumf %max3A, %get3A_202 : vector<16xf32>
        %get3A_204 = arith.index_cast %add3A_198 : i32 to index
        %get3A_205 = arith.constant 16 : index
        %get3A_206 = tpu.vector_load %arg12[%get3A_204, %get3A_205] {strides = array<i32>} : memref<72x128xf32, #tpu.memory_space<vmem>>, vector<1x16xf32>,
        %get3A_207 = vector.shape_cast %get3A_206 : vector<1x16xf32> to vector<16xf32>
        %max3A_208 = arith.maximumf %max3A_184, %get3A_207 : vector<16xf32>
        %get3A_209 = arith.index_cast %add3A_198 : i32 to index
        %get3A_210 = arith.constant 32 : index
        %get3A_211 = tpu.vector_load %arg12[%get3A_209, %get3A_210] {strides = array<i32>} : memref<72x128xf32, #tpu.memory_space<vmem>>, vector<1x16xf32>,
        %get3A_212 = vector.shape_cast %get3A_211 : vector<1x16xf32> to vector<16xf32>
        %max3A_213 = arith.maximumf %max3A_189, %get3A_212 : vector<16xf32>
        %get3A_214 = arith.index_cast %add3A_198 : i32 to index
        %get3A_215 = arith.constant 48 : index
        %get3A_216 = tpu.vector_load %arg12[%get3A_214, %get3A_215] {strides = array<i32>} : memref<72x128xf32, #tpu.memory_space<vmem>>, vector<1x16xf32>,
        %get3A_217 = vector.shape_cast %get3A_216 : vector<1x16xf32> to vector<16xf32>
        %max3A_218 = arith.maximumf %max3A_194, %get3A_217 : vector<16xf32>
        %mul3A_219 = arith.constant 8 : i32
        %mul3A_220 = arith.muli %scan3A_168, %mul3A_219 : i32
        %add3A_221 = arith.constant 2 : i32
        %add3A_222 = arith.addi %mul3A_220, %add3A_221 : i32
        %get3A_223 = arith.index_cast %add3A_222 : i32 to index
        %get3A_224 = arith.constant 0 : index
        %get3A_225 = tpu.vector_load %arg12[%get3A_223, %get3A_224] {strides = array<i32>} : memref<72x128xf32, #tpu.memory_space<vmem>>, vector<1x16xf32>,
        %get3A_226 = vector.shape_cast %get3A_225 : vector<1x16xf32> to vector<16xf32>
        %max3A_227 = arith.maximumf %max3A_203, %get3A_226 : vector<16xf32>
        %get3A_228 = arith.index_cast %add3A_222 : i32 to index
        %get3A_229 = arith.constant 16 : index
        %get3A_230 = tpu.vector_load %arg12[%get3A_228, %get3A_229] {strides = array<i32>} : memref<72x128xf32, #tpu.memory_space<vmem>>, vector<1x16xf32>,
        %get3A_231 = vector.shape_cast %get3A_230 : vector<1x16xf32> to vector<16xf32>
        %max3A_232 = arith.maximumf %max3A_208, %get3A_231 : vector<16xf32>
        %get3A_233 = arith.index_cast %add3A_222 : i32 to index
        %get3A_234 = arith.constant 32 : index
        %get3A_235 = tpu.vector_load %arg12[%get3A_233, %get3A_234] {strides = array<i32>} : memref<72x128xf32, #tpu.memory_space<vmem>>, vector<1x16xf32>,
        %get3A_236 = vector.shape_cast %get3A_235 : vector<1x16xf32> to vector<16xf32>
        %max3A_237 = arith.maximumf %max3A_213, %get3A_236 : vector<16xf32>
        %get3A_238 = arith.index_cast %add3A_222 : i32 to index
        %get3A_239 = arith.constant 48 : index
        %get3A_240 = tpu.vector_load %arg12[%get3A_238, %get3A_239] {strides = array<i32>} : memref<72x128xf32, #tpu.memory_space<vmem>>, vector<1x16xf32>,
        %get3A_241 = vector.shape_cast %get3A_240 : vector<1x16xf32> to vector<16xf32>
        %max3A_242 = arith.maximumf %max3A_218, %get3A_241 : vector<16xf32>
        %mul3A_243 = arith.constant 8 : i32
        %mul3A_244 = arith.muli %scan3A_168, %mul3A_243 : i32
        %add3A_245 = arith.constant 3 : i32
        %add3A_246 = arith.addi %mul3A_244, %add3A_245 : i32
        %get3A_247 = arith.index_cast %add3A_246 : i32 to index
        %get3A_248 = arith.constant 0 : index
        %get3A_249 = tpu.vector_load %arg12[%get3A_247, %get3A_248] {strides = array<i32>} : memref<72x128xf32, #tpu.memory_space<vmem>>, vector<1x16xf32>,
        %get3A_250 = vector.shape_cast %get3A_249 : vector<1x16xf32> to vector<16xf32>
        %max3A_251 = arith.maximumf %max3A_227, %get3A_250 : vector<16xf32>
        %get3A_252 = arith.index_cast %add3A_246 : i32 to index
        %get3A_253 = arith.constant 16 : index
        %get3A_254 = tpu.vector_load %arg12[%get3A_252, %get3A_253] {strides = array<i32>} : memref<72x128xf32, #tpu.memory_space<vmem>>, vector<1x16xf32>,
        %get3A_255 = vector.shape_cast %get3A_254 : vector<1x16xf32> to vector<16xf32>
        %max3A_256 = arith.maximumf %max3A_232, %get3A_255 : vector<16xf32>
        %get3A_257 = arith.index_cast %add3A_246 : i32 to index
        %get3A_258 = arith.constant 32 : index
        %get3A_259 = tpu.vector_load %arg12[%get3A_257, %get3A_258] {strides = array<i32>} : memref<72x128xf32, #tpu.memory_space<vmem>>, vector<1x16xf32>,
        %get3A_260 = vector.shape_cast %get3A_259 : vector<1x16xf32> to vector<16xf32>
        %max3A_261 = arith.maximumf %max3A_237, %get3A_260 : vector<16xf32>
        %get3A_262 = arith.index_cast %add3A_246 : i32 to index
        %get3A_263 = arith.constant 48 : index
        %get3A_264 = tpu.vector_load %arg12[%get3A_262, %get3A_263] {strides = array<i32>} : memref<72x128xf32, #tpu.memory_space<vmem>>, vector<1x16xf32>,
        %get3A_265 = vector.shape_cast %get3A_264 : vector<1x16xf32> to vector<16xf32>
        %max3A_266 = arith.maximumf %max3A_242, %get3A_265 : vector<16xf32>
        %mul3A_267 = arith.constant 8 : i32
        %mul3A_268 = arith.muli %scan3A_168, %mul3A_267 : i32
        %add3A_269 = arith.constant 4 : i32
        %add3A_270 = arith.addi %mul3A_268, %add3A_269 : i32
        %get3A_271 = arith.index_cast %add3A_270 : i32 to index
        %get3A_272 = arith.constant 0 : index
        %get3A_273 = tpu.vector_load %arg12[%get3A_271, %get3A_272] {strides = array<i32>} : memref<72x128xf32, #tpu.memory_space<vmem>>, vector<1x16xf32>,
        %get3A_274 = vector.shape_cast %get3A_273 : vector<1x16xf32> to vector<16xf32>
        %max3A_275 = arith.maximumf %max3A_251, %get3A_274 : vector<16xf32>
        %get3A_276 = arith.index_cast %add3A_270 : i32 to index
        %get3A_277 = arith.constant 16 : index
        %get3A_278 = tpu.vector_load %arg12[%get3A_276, %get3A_277] {strides = array<i32>} : memref<72x128xf32, #tpu.memory_space<vmem>>, vector<1x16xf32>,
        %get3A_279 = vector.shape_cast %get3A_278 : vector<1x16xf32> to vector<16xf32>
        %max3A_280 = arith.maximumf %max3A_256, %get3A_279 : vector<16xf32>
        %get3A_281 = arith.index_cast %add3A_270 : i32 to index
        %get3A_282 = arith.constant 32 : index
        %get3A_283 = tpu.vector_load %arg12[%get3A_281, %get3A_282] {strides = array<i32>} : memref<72x128xf32, #tpu.memory_space<vmem>>, vector<1x16xf32>,
        %get3A_284 = vector.shape_cast %get3A_283 : vector<1x16xf32> to vector<16xf32>
        %max3A_285 = arith.maximumf %max3A_261, %get3A_284 : vector<16xf32>
        %get3A_286 = arith.index_cast %add3A_270 : i32 to index
        %get3A_287 = arith.constant 48 : index
        %get3A_288 = tpu.vector_load %arg12[%get3A_286, %get3A_287] {strides = array<i32>} : memref<72x128xf32, #tpu.memory_space<vmem>>, vector<1x16xf32>,
        %get3A_289 = vector.shape_cast %get3A_288 : vector<1x16xf32> to vector<16xf32>
        %max3A_290 = arith.maximumf %max3A_266, %get3A_289 : vector<16xf32>
        %mul3A_291 = arith.constant 8 : i32
        %mul3A_292 = arith.muli %scan3A_168, %mul3A_291 : i32
        %add3A_293 = arith.constant 5 : i32
        %add3A_294 = arith.addi %mul3A_292, %add3A_293 : i32
        %get3A_295 = arith.index_cast %add3A_294 : i32 to index
        %get3A_296 = arith.constant 0 : index
        %get3A_297 = tpu.vector_load %arg12[%get3A_295, %get3A_296] {strides = array<i32>} : memref<72x128xf32, #tpu.memory_space<vmem>>, vector<1x16xf32>,
        %get3A_298 = vector.shape_cast %get3A_297 : vector<1x16xf32> to vector<16xf32>
        %max3A_299 = arith.maximumf %max3A_275, %get3A_298 : vector<16xf32>
        %get3A_300 = arith.index_cast %add3A_294 : i32 to index
        %get3A_301 = arith.constant 16 : index
        %get3A_302 = tpu.vector_load %arg12[%get3A_300, %get3A_301] {strides = array<i32>} : memref<72x128xf32, #tpu.memory_space<vmem>>, vector<1x16xf32>,
        %get3A_303 = vector.shape_cast %get3A_302 : vector<1x16xf32> to vector<16xf32>
        %max3A_304 = arith.maximumf %max3A_280, %get3A_303 : vector<16xf32>
        %get3A_305 = arith.index_cast %add3A_294 : i32 to index
        %get3A_306 = arith.constant 32 : index
        %get3A_307 = tpu.vector_load %arg12[%get3A_305, %get3A_306] {strides = array<i32>} : memref<72x128xf32, #tpu.memory_space<vmem>>, vector<1x16xf32>,
        %get3A_308 = vector.shape_cast %get3A_307 : vector<1x16xf32> to vector<16xf32>
        %max3A_309 = arith.maximumf %max3A_285, %get3A_308 : vector<16xf32>
        %get3A_310 = arith.index_cast %add3A_294 : i32 to index
        %get3A_311 = arith.constant 48 : index
        %get3A_312 = tpu.vector_load %arg12[%get3A_310, %get3A_311] {strides = array<i32>} : memref<72x128xf32, #tpu.memory_space<vmem>>, vector<1x16xf32>,
        %get3A_313 = vector.shape_cast %get3A_312 : vector<1x16xf32> to vector<16xf32>
        %max3A_314 = arith.maximumf %max3A_290, %get3A_313 : vector<16xf32>
        %mul3A_315 = arith.constant 8 : i32
        %mul3A_316 = arith.muli %scan3A_168, %mul3A_315 : i32
        %add3A_317 = arith.constant 6 : i32
        %add3A_318 = arith.addi %mul3A_316, %add3A_317 : i32
        %get3A_319 = arith.index_cast %add3A_318 : i32 to index
        %get3A_320 = arith.constant 0 : index
        %get3A_321 = tpu.vector_load %arg12[%get3A_319, %get3A_320] {strides = array<i32>} : memref<72x128xf32, #tpu.memory_space<vmem>>, vector<1x16xf32>,
        %get3A_322 = vector.shape_cast %get3A_321 : vector<1x16xf32> to vector<16xf32>
        %max3A_323 = arith.maximumf %max3A_299, %get3A_322 : vector<16xf32>
        %get3A_324 = arith.index_cast %add3A_318 : i32 to index
        %get3A_325 = arith.constant 16 : index
        %get3A_326 = tpu.vector_load %arg12[%get3A_324, %get3A_325] {strides = array<i32>} : memref<72x128xf32, #tpu.memory_space<vmem>>, vector<1x16xf32>,
        %get3A_327 = vector.shape_cast %get3A_326 : vector<1x16xf32> to vector<16xf32>
        %max3A_328 = arith.maximumf %max3A_304, %get3A_327 : vector<16xf32>
        %get3A_329 = arith.index_cast %add3A_318 : i32 to index
        %get3A_330 = arith.constant 32 : index
        %get3A_331 = tpu.vector_load %arg12[%get3A_329, %get3A_330] {strides = array<i32>} : memref<72x128xf32, #tpu.memory_space<vmem>>, vector<1x16xf32>,
        %get3A_332 = vector.shape_cast %get3A_331 : vector<1x16xf32> to vector<16xf32>
        %max3A_333 = arith.maximumf %max3A_309, %get3A_332 : vector<16xf32>
        %get3A_334 = arith.index_cast %add3A_318 : i32 to index
        %get3A_335 = arith.constant 48 : index
        %get3A_336 = tpu.vector_load %arg12[%get3A_334, %get3A_335] {strides = array<i32>} : memref<72x128xf32, #tpu.memory_space<vmem>>, vector<1x16xf32>,
        %get3A_337 = vector.shape_cast %get3A_336 : vector<1x16xf32> to vector<16xf32>
        %max3A_338 = arith.maximumf %max3A_314, %get3A_337 : vector<16xf32>
        %mul3A_339 = arith.constant 8 : i32
        %mul3A_340 = arith.muli %scan3A_168, %mul3A_339 : i32
        %add3A_341 = arith.constant 7 : i32
        %add3A_342 = arith.addi %mul3A_340, %add3A_341 : i32
        %get3A_343 = arith.index_cast %add3A_342 : i32 to index
        %get3A_344 = arith.constant 0 : index
        %get3A_345 = tpu.vector_load %arg12[%get3A_343, %get3A_344] {strides = array<i32>} : memref<72x128xf32, #tpu.memory_space<vmem>>, vector<1x16xf32>,
        %get3A_346 = vector.shape_cast %get3A_345 : vector<1x16xf32> to vector<16xf32>
        %max3A_347 = arith.maximumf %max3A_323, %get3A_346 : vector<16xf32>
        %get3A_348 = arith.index_cast %add3A_342 : i32 to index
        %get3A_349 = arith.constant 16 : index
        %get3A_350 = tpu.vector_load %arg12[%get3A_348, %get3A_349] {strides = array<i32>} : memref<72x128xf32, #tpu.memory_space<vmem>>, vector<1x16xf32>,
        %get3A_351 = vector.shape_cast %get3A_350 : vector<1x16xf32> to vector<16xf32>
        %max3A_352 = arith.maximumf %max3A_328, %get3A_351 : vector<16xf32>
        %get3A_353 = arith.index_cast %add3A_342 : i32 to index
        %get3A_354 = arith.constant 32 : index
        %get3A_355 = tpu.vector_load %arg12[%get3A_353, %get3A_354] {strides = array<i32>} : memref<72x128xf32, #tpu.memory_space<vmem>>, vector<1x16xf32>,
        %get3A_356 = vector.shape_cast %get3A_355 : vector<1x16xf32> to vector<16xf32>
        %max3A_357 = arith.maximumf %max3A_333, %get3A_356 : vector<16xf32>
        %get3A_358 = arith.index_cast %add3A_342 : i32 to index
        %get3A_359 = arith.constant 48 : index
        %get3A_360 = tpu.vector_load %arg12[%get3A_358, %get3A_359] {strides = array<i32>} : memref<72x128xf32, #tpu.memory_space<vmem>>, vector<1x16xf32>,
        %get3A_361 = vector.shape_cast %get3A_360 : vector<1x16xf32> to vector<16xf32>
        %max3A_362 = arith.maximumf %max3A_338, %get3A_361 : vector<16xf32>
        scf.yield %max3A_347, %max3A_352, %max3A_357, %max3A_362 : vector<16xf32>, vector<16xf32>, vector<16xf32>, vector<16xf32>
      }
      %scan3A_130 = arith.constant 9 : i32
      %add3A_131 = arith.constant 2 : i32
      %add3A_132 = arith.addi %add3A_106, %add3A_131 : i32
      %lt3A_133 = arith.constant 128 : i32
      %lt3A_134 = arith.cmpi slt, %add3A_132, %lt3A_133 : i32
      %convert_element_type3A_135 = arith.extui %lt3A_134 : i1 to i32
      %cond3A_136 = arith.constant 0 : i32
      %cond3A_137 = arith.cmpi ne, %convert_element_type3A_135, %cond3A_136 : i32
      scf.if %cond3A_137 {
        %add3A_168 = arith.constant 2 : i32
        %add3A_169 = arith.addi %add3A_106, %add3A_168 : i32
        %dma_start3A_170 = arith.constant 0 : i32
        %dma_start3A_171 = tpu.memref_slice %arg6[%add3A_169, %dma_start3A_170] : memref<128x128xi32, #tpu.memory_space<vmem>> -> memref<1x128xi32, #tpu.memory_space<vmem>>
        %dma_start3A_172 = tpu.memref_squeeze %dma_start3A_171 : memref<1x128xi32, #tpu.memory_space<vmem>> -> memref<128xi32, #tpu.memory_space<vmem>>
        %dma_start3A_173 = arith.constant 0 : i32
        %dma_start3A_174 = arith.constant 0 : i32
        %dma_start3A_175 = tpu.memref_slice %arg4[%dma_start3A_173, %dma_start3A_174] : memref<100000x128xf32, #tpu.memory_space<hbm>> -> memref<100000x128xf32, #tpu.memory_space<hbm>>
        tpu.enqueue_indirect_dma source(%dma_start3A_175 : memref<100000x128xf32, #tpu.memory_space<hbm>>) target(%arg10 : memref<128x128xf32, #tpu.memory_space<vmem>>) offsets(%dma_start3A_172 : memref<128xi32, #tpu.memory_space<vmem>>) semaphore(%arg14 : memref<!tpu.dma_semaphore, #tpu.memory_space<semaphore_mem>>)
        %add3A_176 = arith.constant 2 : i32
        %add3A_177 = arith.addi %add3A_106, %add3A_176 : i32
        %dma_start3A_178 = arith.constant 0 : i32
        %dma_start3A_179 = tpu.memref_slice %arg7[%add3A_177, %dma_start3A_178] : memref<128x128xi32, #tpu.memory_space<vmem>> -> memref<1x72xi32, #tpu.memory_space<vmem>>
        %dma_start3A_180 = tpu.memref_squeeze %dma_start3A_179 : memref<1x72xi32, #tpu.memory_space<vmem>> -> memref<72xi32, #tpu.memory_space<vmem>>
        %dma_start3A_181 = arith.constant 0 : i32
        %dma_start3A_182 = arith.constant 0 : i32
        %dma_start3A_183 = tpu.memref_slice %arg4[%dma_start3A_181, %dma_start3A_182] : memref<100000x128xf32, #tpu.memory_space<hbm>> -> memref<100000x128xf32, #tpu.memory_space<hbm>>
        tpu.enqueue_indirect_dma source(%dma_start3A_183 : memref<100000x128xf32, #tpu.memory_space<hbm>>) target(%arg12 : memref<72x128xf32, #tpu.memory_space<vmem>>) offsets(%dma_start3A_180 : memref<72xi32, #tpu.memory_space<vmem>>) semaphore(%arg16 : memref<!tpu.dma_semaphore, #tpu.memory_space<semaphore_mem>>)
      } else {
      }
      %mul3A_138 = arith.constant 64 : i32
      %mul3A_139 = arith.muli %add3A_106, %mul3A_138 : i32
      %swap3A_140 = arith.index_cast %mul3A_139 : i32 to index
      %swap3A_141 = tpu.vector_load %arg8[%swap3A_140] {strides = array<i32>} : memref<8192xf32, #tpu.memory_space<vmem>>, vector<16xf32>,
      %swap3A_142 = vector.shape_cast %swap3A_141 : vector<16xf32> to vector<16xf32>
      %swap3A_143 = vector.shape_cast %scan3A_129#0 : vector<16xf32> to vector<16xf32>
      tpu.vector_store %arg8[%swap3A_140], %swap3A_143 {strides = array<i32>} : memref<8192xf32, #tpu.memory_space<vmem>>, vector<16xf32>,
      %mul3A_144 = arith.constant 64 : i32
      %mul3A_145 = arith.muli %add3A_106, %mul3A_144 : i32
      %add3A_146 = arith.constant 16 : i32
      %add3A_147 = arith.addi %mul3A_145, %add3A_146 : i32
      %swap3A_148 = arith.index_cast %add3A_147 : i32 to index
      %swap3A_149 = tpu.vector_load %arg8[%swap3A_148] {strides = array<i32>} : memref<8192xf32, #tpu.memory_space<vmem>>, vector<16xf32>,
      %swap3A_150 = vector.shape_cast %swap3A_149 : vector<16xf32> to vector<16xf32>
      %swap3A_151 = vector.shape_cast %scan3A_129#1 : vector<16xf32> to vector<16xf32>
      tpu.vector_store %arg8[%swap3A_148], %swap3A_151 {strides = array<i32>} : memref<8192xf32, #tpu.memory_space<vmem>>, vector<16xf32>,
      %mul3A_152 = arith.constant 64 : i32
      %mul3A_153 = arith.muli %add3A_106, %mul3A_152 : i32
      %add3A_154 = arith.constant 32 : i32
      %add3A_155 = arith.addi %mul3A_153, %add3A_154 : i32
      %swap3A_156 = arith.index_cast %add3A_155 : i32 to index
      %swap3A_157 = tpu.vector_load %arg8[%swap3A_156] {strides = array<i32>} : memref<8192xf32, #tpu.memory_space<vmem>>, vector<16xf32>,
      %swap3A_158 = vector.shape_cast %swap3A_157 : vector<16xf32> to vector<16xf32>
      %swap3A_159 = vector.shape_cast %scan3A_129#2 : vector<16xf32> to vector<16xf32>
      tpu.vector_store %arg8[%swap3A_156], %swap3A_159 {strides = array<i32>} : memref<8192xf32, #tpu.memory_space<vmem>>, vector<16xf32>,
      %mul3A_160 = arith.constant 64 : i32
      %mul3A_161 = arith.muli %add3A_106, %mul3A_160 : i32
      %add3A_162 = arith.constant 48 : i32
      %add3A_163 = arith.addi %mul3A_161, %add3A_162 : i32
      %swap3A_164 = arith.index_cast %add3A_163 : i32 to index
      %swap3A_165 = tpu.vector_load %arg8[%swap3A_164] {strides = array<i32>} : memref<8192xf32, #tpu.memory_space<vmem>>, vector<16xf32>,
      %swap3A_166 = vector.shape_cast %swap3A_165 : vector<16xf32> to vector<16xf32>
      %swap3A_167 = vector.shape_cast %scan3A_129#3 : vector<16xf32> to vector<16xf32>
      tpu.vector_store %arg8[%swap3A_164], %swap3A_167 {strides = array<i32>} : memref<8192xf32, #tpu.memory_space<vmem>>, vector<16xf32>,
    }
    %scan3A_37 = arith.constant 64 : i32
    %mul3A_38 = arith.constant 128 : i32
    %mul3A_39 = arith.muli %add3A, %mul3A_38 : i32
    %mul3A_40 = arith.constant 64 : i32
    %mul3A_41 = arith.muli %mul3A_39, %mul3A_40 : i32
    "tpu.region"() ({
      %run_scoped3A = tpu.sem_alloc : memref<!tpu.dma_semaphore, #tpu.memory_space<semaphore_mem>>
      %dma_start3A_42 = tpu.memref_slice %arg5[%mul3A_41] : memref<262144xf32, #tpu.memory_space<hbm>> -> memref<8192xf32, #tpu.memory_space<hbm>>
      %dma_start3A_43 = tpu.memref_slice %arg5[%mul3A_41] : memref<262144xf32, #tpu.memory_space<hbm>> -> memref<8192xf32, #tpu.memory_space<hbm>>
      tpu.enqueue_dma source(%arg8 : memref<8192xf32, #tpu.memory_space<vmem>>) target(%dma_start3A_43 : memref<8192xf32, #tpu.memory_space<hbm>>) target_semaphore(%run_scoped3A : memref<!tpu.dma_semaphore, #tpu.memory_space<semaphore_mem>>)
      %dma_wait3A = tpu.memref_slice %arg5[%mul3A_41] : memref<262144xf32, #tpu.memory_space<hbm>> -> memref<8192xf32, #tpu.memory_space<hbm>>
      %dma_wait3A_44 = tpu.memref_slice %arg5[%mul3A_41] : memref<262144xf32, #tpu.memory_space<hbm>> -> memref<8192xf32, #tpu.memory_space<hbm>>
      tpu.wait_dma2 semaphore(%run_scoped3A : memref<!tpu.dma_semaphore, #tpu.memory_space<semaphore_mem>>) src(%arg8 : memref<8192xf32, #tpu.memory_space<vmem>>) dst(%dma_wait3A_44 : memref<8192xf32, #tpu.memory_space<hbm>>)
      tpu.yield
    }) : () -> ()
    return
  }
}

module attributes {stable_mosaic.version = 14 : i64} {
  func.func @body(%arg0: memref<4096x64xf32, #tpu.memory_space<vmem>>, %arg1: memref<64x10xf32, #tpu.memory_space<vmem>>, %arg2: memref<1x10xf32, #tpu.memory_space<vmem>>, %arg3: memref<4096x10xf32, #tpu.memory_space<vmem>>) attributes {dimension_semantics = [], scalar_prefetch = 0 : i64, scratch_operands = 0 : i64, tpu.core_type = #tpu.core_type<tc>} {
    %get3A = arith.constant 0 : index
    %get3A_0 = arith.constant 0 : index
    %get3A_1 = vector.load %arg0[%get3A, %get3A_0] : memref<4096x64xf32, #tpu.memory_space<vmem>>, vector<4096x64xf32>
    %get3A_2 = arith.constant 0 : index
    %get3A_3 = arith.constant 0 : index
    %get3A_4 = vector.load %arg1[%get3A_2, %get3A_3] : memref<64x10xf32, #tpu.memory_space<vmem>>, vector<64x10xf32>
    %dot_general3A = arith.constant dense<0.000000e+00> : vector<4096x10xf32>
    %dot_general3A_5 = tpu.matmul %get3A_1, %get3A_4, %dot_general3A {dimension_numbers = #tpu.dot_dimension_numbers<[1], [0], [0], [1], [0, 0, 1, 1], [], []>, transpose_lhs_hint = false} : vector<4096x64xf32>, vector<64x10xf32>, vector<4096x10xf32> -> vector<4096x10xf32>
    %get3A_6 = arith.constant 0 : index
    %get3A_7 = arith.constant 0 : index
    %get3A_8 = vector.load %arg2[%get3A_6, %get3A_7] : memref<1x10xf32, #tpu.memory_space<vmem>>, vector<1x10xf32>
    %add3A = vector.broadcast %get3A_8 : vector<1x10xf32> to vector<4096x10xf32>
    %add3A_9 = arith.addf %dot_general3A_5, %add3A : vector<4096x10xf32>
    %reduce_max3A = arith.constant dense<0xFF800000> : vector<4096xf32>
    %reduce_max3A_10 = vector.multi_reduction <maximumf>, %add3A_9, %reduce_max3A [1] : vector<4096x10xf32> to vector<4096xf32>
    %broadcast_in_dim3A = vector.shape_cast %reduce_max3A_10 : vector<4096xf32> to vector<4096x1xf32>
    %sub3A = vector.broadcast %broadcast_in_dim3A : vector<4096x1xf32> to vector<4096x10xf32>
    %sub3A_11 = arith.subf %add3A_9, %sub3A : vector<4096x10xf32>
    %exp3A = math.exp %sub3A_11 : vector<4096x10xf32>
    %reduce_sum3A = arith.constant dense<0.000000e+00> : vector<4096xf32>
    %reduce_sum3A_12 = vector.multi_reduction <add>, %exp3A, %reduce_sum3A [1] : vector<4096x10xf32> to vector<4096xf32>
    %broadcast_in_dim3A_13 = vector.shape_cast %reduce_sum3A_12 : vector<4096xf32> to vector<4096x1xf32>
    %div3A = vector.broadcast %broadcast_in_dim3A_13 : vector<4096x1xf32> to vector<4096x10xf32>
    %div3A_14 = arith.divf %exp3A, %div3A : vector<4096x10xf32>
    %swap3A = arith.constant 0 : index
    %swap3A_15 = arith.constant 0 : index
    %swap3A_16 = vector.load %arg3[%swap3A, %swap3A_15] : memref<4096x10xf32, #tpu.memory_space<vmem>>, vector<4096x10xf32>
    tpu.vector_store %arg3[%swap3A, %swap3A_15], %div3A_14 {strides = array<i32>} : memref<4096x10xf32, #tpu.memory_space<vmem>>, vector<4096x10xf32>,
    return
  }
}

</mosaic_0001>

<sc_bundles>
// kernel: kernel.4.cloned.1.call-start
scs
__scs_entry_jumppad:
0x0: {  	(pc) =	sbr.rel $0x88, $3  }
0x1: {  	(tag) =	ssettag $0x0;
	lr =	simm.s32 $0x1  }
0x2: {  	[smem:$0x3F9D] =	sst lr;
	_ =	strace $0xD0000000  }
0x3: {  	_ = 	snop  }
0x4: {  	_ = 	snop  }
0x5: {  	_ = 	snop  }
0x6: {  	_ = 	snop  }
0x7: {  	_ = 	snop  }
__scs_overlays_trampoline_lowered:
0x8: {  	[smem:$0x3FAC] =	sst s0  }
0x9: {  	[smem:$0x3FAD] =	sst s1  }
0xa: {  	[smem:$0x3FAE] =	sst s2  }
0xb: {  	[smem:$0x3FAF] =	sst s3  }
0xc: {  	[smem:$0x3FB0] =	sst s4  }
0xd: {  	[smem:$0x3FB1] =	sst s5  }
0xe: {  	[smem:$0x3FB2] =	sst s6  }
0xf: {  	[smem:$0x3FB3] =	sst s7  }
0x10: {  	[smem:$0x3FB4] =	sst s8  }
0x11: {  	[smem:$0x3FB5] =	sst s9;
	s0 =	simm.s32 @!p0 $0x0  }
0x12: {  	s1 =	sld [smem:$0x3F9B];
	s0 =	simm.s32 @p0 $0x1  }
0x13: {  	[smem:$0x3FB6] =	sst s0;
	s0 =	simm.s32 @!p1 $0x0  }
0x14: {  	s2 =	sld [smem:$0x3F9A];
	s0 =	simm.s32 @p1 $0x1  }
0x15: {  	[smem:$0x3FB7] =	sst s0;
	s0 =	simm.s32 @!p2 $0x0  }
0x16: {  	s3 =	sld [smem:$0x3FDB];
	s0 =	simm.s32 @p2 $0x1  }
0x17: {  	s4 =	simm.s32 $0x1BF5;
	[smem:$0x3FB9] =	sst s0  }
0x18: {  	s0 =	sld [smem:$0x3F9C];
	_ =	swait.ge [sflag:s4], $0x0  }
0x19: {  	s7 =	sld [smem:$0x3F9D]  }
0x1a: {  	s8 =	sadd.s32 $0xFFFFE003, lr  }
0x1b: {  	s9 =	sadd.s32 $0xFFFFFEF7, lr;
	s5 =	simm.s32 $0xFFFFFFFF;
	p2 =	slt.u32 s8, $0xFFFFF086  }
0x1c: {  	p1 =	slt.u32 s9, $0xF7A;
	s5 =	simm.s32 @!p2 $0x0  }
0x1d: {  	s5 =	simm.s32 @p1 $0x1;
	p0 =	seq.s32 s7, s2  }
0x1e: {  	s7 =	smul.u32 @!p0 $0xF7A, s2;
	p2 =	seq.s32 @!p0 s5, $0x0  }
0x1f: {  	s9 =	smul.u32 $0xF7A, s1;
	s8 =	simm.s32 @!p0 $0x1BF5;
	p2 =	por !p2, p0  }
0x20: {  	[sflag:s8] =	ssyncset.s32 @!p0 $0xFFFFF086;
	s6 =	sadd.s32 @!p0 s3, s7;
	s7 =	simm.s32 @!p0 $0x108  }
0x21: {  	s3 =	sadd.s32 s3, s9;
	s6 =	sadd.s32 @!p0 $0x88, s6;
	s7 =	simm.s32 @p2 $0x1082  }
0x22: {  	[simem:s7], [sflag:s8] =	dma.local @!p0 [hbm:s6], $0xF7A  }
0x23: {  	s9 =	sor.u32 $0xD0000000, s2;
	s6 =	simm.s32 $0x108;
	_ =	swait.ge @!p0 [sflag:s8], $0x0  }
0x24: {  	s3 =	sadd.s32 $0x88, s3;
	s6 =	simm.s32 @!p1 $0x1082;
	[sflag:s4] =	ssyncset.s32 $0xFFFFF086  }
0x25: {  	[simem:s6], [sflag:s4] =	dma.local [hbm:s3], $0xF7A  }
0x26: {  	[smem:$0x3F9D] =	sst s1;
	(tag) =	ssettag s2;
	_ =	strace s9  }
0x27: {  	s1 =	sld [smem:$0x3FAD]  }
0x28: {  	s2 =	sld [smem:$0x3FAE]  }
0x29: {  	s4 =	sld [smem:$0x3FB0]  }
0x2a: {  	p0 =	seq.s32 s5, $0x0;
	s5 =	sld [smem:$0x3FB1]  }
0x2b: {  	s6 =	sld [smem:$0x3FB2]  }
0x2c: {  	s7 =	sld [smem:$0x3FB3]  }
0x2d: {  	s3 =	simm.s32 $0x108;
	s8 =	sld [smem:$0x3FB4]  }
0x2e: {  	s3 =	simm.s32 @!p0 $0x1082;
	s9 =	sld [smem:$0x3FB5]  }
0x2f: {  	lr =	sadd.s32 s0, s3;
	s0 =	sld [smem:$0x3FAC]  }
0x30: {  	s3 =	sld [smem:$0x3FAF]  }
0x31: {  	[smem:$0x3FB8] =	sst s10  }
0x32: {  	s10 =	sld [smem:$0x3FB6];
	_ =	sdelay $0x3  }
0x33: {  	p0 =	seq.s32 s10, $0x1;
	s10 =	sld [smem:$0x3FB8];
	_ =	sdelay $0x3  }
0x34: {  	[smem:$0x3FB8] =	sst s10  }
0x35: {  	s10 =	sld [smem:$0x3FB7];
	_ =	sdelay $0x3  }
0x36: {  	p1 =	seq.s32 s10, $0x1;
	s10 =	sld [smem:$0x3FB8];
	_ =	sdelay $0x3  }
0x37: {  	[smem:$0x3FB8] =	sst s10  }
0x38: {  	s10 =	sld [smem:$0x3FB9]  }
0x39: {  	_ = 	snop;
	(pc) =	sbr.ind lr, $3  }
0x3a: {  	_ = 	snop  }
0x3b: {  	_ = 	snop  }
0x3c: {  	p2 =	seq.s32 s10, $0x1;
	s10 =	sld [smem:$0x3FB8]  }
0x3d: {  	_ =	shalt  }
0x3e: {  	_ =	shalt  }
0x3f: {  	_ =	shalt  }
0x40: {  	_ =	shalt  }
0x41: {  	_ =	shalt  }
0x42: {  	_ =	shalt  }
0x43: {  	_ =	shalt  }
0x44: {  	_ =	shalt  }
0x45: {  	_ =	shalt  }
0x46: {  	_ =	shalt  }
0x47: {  	_ =	shalt  }
0x48: {  	_ =	shalt  }
0x49: {  	_ =	shalt  }
0x4a: {  	_ =	shalt  }
0x4b: {  	_ =	shalt  }
0x4c: {  	_ =	shalt  }
0x4d: {  	_ =	shalt  }
0x4e: {  	_ =	shalt  }
0x4f: {  	_ =	shalt  }
0x50: {  	_ =	shalt  }
0x51: {  	_ =	shalt  }
0x52: {  	_ =	shalt  }
0x53: {  	_ =	shalt  }
0x54: {  	_ =	shalt  }
0x55: {  	_ =	shalt  }
0x56: {  	_ =	shalt  }
0x57: {  	_ =	shalt  }
0x58: {  	_ =	shalt  }
0x59: {  	_ =	shalt  }
0x5a: {  	_ =	shalt  }
0x5b: {  	_ =	shalt  }
0x5c: {  	_ =	shalt  }
0x5d: {  	_ =	shalt  }
0x5e: {  	_ =	shalt  }
0x5f: {  	_ =	shalt  }
0x60: {  	_ =	shalt  }
0x61: {  	_ =	shalt  }
0x62: {  	_ =	shalt  }
0x63: {  	_ =	shalt  }
0x64: {  	_ =	shalt  }
0x65: {  	_ =	shalt  }
0x66: {  	_ =	shalt  }
0x67: {  	_ =	shalt  }
0x68: {  	_ =	shalt  }
0x69: {  	_ =	shalt  }
0x6a: {  	_ =	shalt  }
0x6b: {  	_ =	shalt  }
0x6c: {  	_ =	shalt  }
0x6d: {  	_ =	shalt  }
0x6e: {  	_ =	shalt  }
0x6f: {  	_ =	shalt  }
0x70: {  	_ =	shalt  }
0x71: {  	_ =	shalt  }
0x72: {  	_ =	shalt  }
0x73: {  	_ =	shalt  }
0x74: {  	_ =	shalt  }
0x75: {  	_ =	shalt  }
0x76: {  	_ =	shalt  }
0x77: {  	_ =	shalt  }
0x78: {  	_ =	shalt  }
0x79: {  	_ =	shalt  }
0x7a: {  	_ =	shalt  }
0x7b: {  	_ =	shalt  }
0x7c: {  	_ =	shalt  }
0x7d: {  	_ =	shalt  }
0x7e: {  	_ =	shalt  }
0x7f: {  	_ =	shalt  }
0x80: {  	_ =	shalt  }
0x81: {  	_ =	shalt  }
0x82: {  	_ =	shalt  }
0x83: {  	_ =	shalt  }
0x84: {  	_ =	shalt  }
0x85: {  	_ =	shalt  }
0x86: {  	_ =	shalt  }
0x87: {  	_ =	shalt  }
.Lfunc_end0:
.L_simem_size_0:
called_computation_lowered:
.L_overlay_start_0:
0x88: {  	s2 =	sld [smem:$0x3FD9]  }
0x89: {  	s3 =	sld [smem:$0x3FFE];
	_ =	sdelay $0x1  }
0x8a: {  	s1 =	srdreg.scid  }
0x8b: {  	s0 =	sand.u32 $0x1, s1  }
0x8c: {  	s16 =	sshll.u32 s0, $0xA;
	s2 =	sadd.s32 s3, s2  }
0x8d: {  	s2 =	sadd.s32 s2, s16  }
0x8e: {  	[smem:$0x3FC4] =	sst s2  }
0x8f: {  	_ = 	snop  }
0x90: {  	(tm) =	ssettm $0x1  }
0x91: {  	s17 =	sld [smem:$0x3FFB];
	_ =	sdelay $0x3  }
0x92: {  	_ =	strace s17  }
0x93: {  	s2 =	sld [smem:$0x3FFC];
	_ =	sdelay $0x3  }
0x94: {  	_ =	strace s2  }
0x95: {  	s2 =	sld [smem:$0x3FFD];
	_ =	sdelay $0x3  }
0x96: {  	_ =	strace s2  }
0x97: {  	_ =	strace $0x8FFFFFFF  }
0x98: {  	s18 =	sld [smem:$0x3FDB];
	_ =	sdelay $0x1  }
0x99: {  	s19 =	simm.s32 $_scs_section_size  }
0x9a: {  	s4 =	simm.s32 $_size__tile_overlayer_lowered;
	s5 =	simm.s32 $_tile_overlayer_lowered  }
0x9b: {  	s22 =	simm.s32 $0x1BFF;
	s21 =	sshll.u32 s5, $0x1;
	s2 =	sadd.s32 s19, s18  }
0x9c: {  	s6 =	simm.s32 $0x0;
	s20 =	sshll.u32 s4, $0x1;
	s4 =	sadd.s32 s21, s2  }
0x9d: {  	[timem:s6], [sflag:s22] =	dma.local [hbm:s4], s20  }
0x9e: {  	_ =	swait.ge [sflag:s22], s20  }
0x9f: {  	s3 =	ssub.s32 $0x0, s20;
	[sflag:s22] =	ssyncset.done $0x0  }
0xa0: {  	[sflag:s22] =	ssyncadd.s32 s3;
	_ =	sdelay $0x1  }
0xa1: {  	s23 =	simm.s32 $0x1B8B  }
0xa2: {  	_ =	swait.ge [sflag:s23], $0x1  }
0xa3: {  	[sflag:s23] =	ssyncset.done $0x0  }
0xa4: {  	s25 =	simm.s32 $0x1B8E;
	s24 =	sld [smem:$0x3FFE];
	[sflag:s23] =	ssyncadd.s32 $0xFFFFFFFF  }
0xa5: {  	s26 =	simm.s32 $execute0_lowered;
	[smem:$0x3FD2] =	sst s25  }
0xa6: {  	s4 =	sshll.u32 s26, $0x1;
	_ =	strace $0x80000046;
	[dreg:$0x1] =	wrdreg $0xFFFFFFFF  }
0xa7: {  	s28 =	simm.s32 $_size_execute0_lowered;
	s2 =	sadd.s32 s2, s4;
	[dreg:$0x0] =	wrdreg $0x0  }
0xa8: {  	s4 =	sshll.u32 s28, $0x1;
	[dreg:$0x2] =	wrdreg s2  }
0xa9: {  	[dreg:$0x3] =	wrdreg s4  }
0xaa: {  	[dreg:$0x4] =	wrdreg $0xC0  }
0xab: {  	_ =	task [dreg:s6], $0x5FFFF  }
0xac: {  	[dreg:$0x1] =	wrdreg $0xFFFFFFFF  }
0xad: {  	[dreg:$0x0] =	wrdreg $0x60  }
0xae: {  	[dreg:$0x2] =	wrdreg s24  }
0xaf: {  	[dreg:$0x3] =	wrdreg $0x9  }
0xb0: {  	_ =	task.clear_ibuf [dreg:s6], $0x4FFFF;
	_ =	strace $0x90000046  }
0xb1: {  	s29 =	simm.s32 $0x9;
	_ =	strace $0x80000048  }
0xb2: {  	_ =	swait.ge [sflag:s29], $0x1  }
0xb3: {  	[sflag:s29] =	ssyncadd.s32 $0xFFFFFFFF  }
0xb4: {  	_ =	strace $0x90000048  }
0xb5: {  	_ =	sfence  }
0xb6: {  	s30 =	sld [smem:$0x0];
	_ =	sdelay $0x2  }
0xb7: {  	s31 =	sshll.u32 s1, $0xD;
	s1 =	sshrl.u32 s1, $0x2  }
0xb8: {  	s3 =	sand.u32 $0x4000, s31;
	s1 =	sadd.s32 s1, s30  }
0xb9: {  	s0 =	sor.u32 s3, s0;
	s1 =	sshll.u32 s1, $0x11  }
0xba: {  	s0 =	sor.u32 s1, s0  }
0xbb: {  	s0 =	sadd.s32 $0x8F2B, s0  }
0xbc: {  	[sflag:s0] =	ssyncadd.remote.s32 $0x1  }
0xbd: {  	_ =	sfence.sel $0xFFFF  }
0xbe: {  	[dreg:$0x0] =	wrdreg $0xFFFFFFFF;
	(pc) =	sbr.abs _section_cstart, $3  }
0xbf: {  	[dreg:$0x1] =	wrdreg $0xFFFFFFFF  }
0xc0: {  	_ =	task.clear_ibuf [dreg:s6], $0x2FFFF;
	_ =	strace $0x9FFFFFFF  }
0xc1: {  	(tm) =	ssettm $0x7FFFFFFF  }
tec
execute0_lowered:
.L_overlay_start_1:
0x0: {  	(tag) =	ssettag $0x1  }
0x1: {  	s1 =	srdreg.scid;
	s0 =	stileid.u32  }
0x2: {  	s4 =	rddreg [dreg:$0x0];
	s2 =	simm.s32 $0x0;
	s10 =	simm.s32 $0x80  }
0x3: {  	s11 =	simm.s32 $0xA000;
	s12 =	simm.s32 $0x48;
	s13 =	simm.s32 $0x12000  }
0x4: {  	s14 =	simm.s32 $0xE000;
	s15 =	simm.s32 $0x4080;
	s16 =	simm.s32 $0x14400  }
0x5: {  	s17 =	simm.s32 $0x1;
	s18 =	simm.s32 $0x3;
	s19 =	simm.s32 $0x2  }
0x6: {  	s20 =	simm.s32 $0x4;
	s21 =	simm.s32 $0x8000;
	s22 =	simm.s32 $0x0  }
0x7: {  	s3 =	sand.u32 $0x1, s1;
	s5 =	sshll.u32 s0, $0x1;
	[smem:$0x7FF] =	sst s2  }
0x8: {  	s1 =	rddreg [dreg:$0x1];
	s5 =	sor.u32 s3, s5;
	_ =	strace $0x80000047  }
.Ltmp0:
0x9: {  	s7 =	ssub.s32 $0x2, s3;
	s3 =	sadd.s32 $0x197A00, s4;
	(pc) =	sbr.rel .LBB2_1-.Ltmp0, $4  }
0xa: {  	s6 =	sshll.u32 s5, $0xB;
	s5 =	sshll.u32 s5, $0xA;
	s8 =	sshrl.u32 s7, $0x1  }
0xb: {  	s6 =	sadd.s32 s6, s4;
	s9 =	sadd.s32 s5, s4;
	s7 =	ssub.s32 s7, s8  }
0xc: {  	s8 =	simm.s32 $0x5;
	s4 =	sadd.s32 $0x187A00, s6;
	s5 =	sadd.s32 $0x1000, s6  }
0xd: {  	s6 =	sadd.s32 $0x11000, s9;
	s7 =	smax.u32 s7, $0x1;
	s9 =	simm.s32 $0x4000  }
.LBB2_12:
0xe: {  	[tilespmem:s25+$0x8040] =	vst v12  }
0xf: {  	[tilespmem:s25+$0x8050] =	vst v2;
	s22 =	sadd.s32 $0x1, s22  }
0x10: {  	[tilespmem:s25+$0x8060] =	vst v1;
	p0 =	sne.s32 s22, s7  }
.Ltmp1:
0x11: {  	[tilespmem:s25+$0x8070] =	vst v0;
	(pc) =	sbr.rel @!p0 .LBB2_13-.Ltmp1, $4  }
0x12: {  	[hbm4b:s6+s2] =	stream.linear.scatter [tilespmem:s21], [sflag:$0x5], $0x2000, $0x38;
	[tilespmem:$0x16800] =	vst v63  }
0x13: {  	_ =	swait.ge [sflag:s8], $0x2000  }
0x14: {  	[sflag:s8] =	ssyncset.done $0x0  }
0x15: {  	[sflag:s8] =	ssyncadd.s32 $0xFFFFE000  }
.LBB2_1:
0x16: {  	[tilespmem:s2], [sflag:$0x5] =	stream.linear.gather [hbm4b:s4+s2], $0x4000, $0x38;
	[tilespmem:$0x16800] =	vst v63  }
0x17: {  	_ =	swait.ge [sflag:s8], $0x4000  }
0x18: {  	[sflag:s8] =	ssyncset.done $0x0  }
0x19: {  	[sflag:s8] =	ssyncadd.s32 $0xFFFFC000  }
0x1a: {  	[tilespmem:s9], [sflag:$0x5] =	stream.linear.gather [hbm4b:s5+s2], $0x4000, $0x38;
	[tilespmem:$0x16800] =	vst v63  }
0x1b: {  	_ =	swait.ge [sflag:s8], $0x4000  }
0x1c: {  	[sflag:s8] =	ssyncset.done $0x0  }
0x1d: {  	[sflag:s8] =	ssyncadd.s32 $0xFFFFC000  }
0x1e: {  	[tilespmem:s11], [sflag:$0x1] =	stream.indirect.gather [hbm4b:s3+s10], $0x80, s2, s10, $0xb8;
	[tilespmem:$0x16800] =	vst v63  }
0x1f: {  	_ = 	snop  }
0x20: {  	[tilespmem:s13], [sflag:$0x3] =	stream.indirect.gather [hbm4b:s3+s12], $0x80, s9, s12, $0xb8;
	[tilespmem:$0x16800] =	vst v63  }
0x21: {  	_ = 	snop  }
0x22: {  	[tilespmem:s14], [sflag:$0x2] =	stream.indirect.gather [hbm4b:s3+s10], $0x80, s10, s10, $0xb8;
	[tilespmem:$0x16800] =	vst v63  }
0x23: {  	s23 =	simm.s32 $0x0  }
0x24: {  	[tilespmem:s16], [sflag:$0x4] =	stream.indirect.gather [hbm4b:s3+s12], $0x80, s15, s12, $0xb8;
	[tilespmem:$0x16800] =	vst v63  }
.LBB2_2:
0x25: {  	_ =	swait.ge [sflag:s17], $0x4000  }
0x26: {  	[sflag:s17] =	ssyncset.done $0x0  }
0x27: {  	s24 =	simm.s32 $0x0;
	[sflag:s17] =	ssyncadd.s32 $0xFFFFC000  }
0x28: {  	v15 =	vld [tilespmem:s24+$0xA380]  }
0x29: {  	v4 =	vld [tilespmem:s24+$0xA390]  }
0x2a: {  	v5 =	vld [tilespmem:s24+$0xA3A0]  }
0x2b: {  	v19 =	vld [tilespmem:s24+$0xA300]  }
0x2c: {  	v6 =	vld [tilespmem:s24+$0xA310]  }
0x2d: {  	v7 =	vld [tilespmem:s24+$0xA320]  }
0x2e: {  	v24 =	vld [tilespmem:s24+$0xA280]  }
0x2f: {  	v10 =	vld [tilespmem:s24+$0xA290]  }
0x30: {  	v11 =	vld [tilespmem:s24+$0xA2A0]  }
0x31: {  	v14 =	vld [tilespmem:s24+$0xA200]  }
0x32: {  	v16 =	vld [tilespmem:s24+$0xA210]  }
0x33: {  	v17 =	vld [tilespmem:s24+$0xA220]  }
0x34: {  	v13 =	vld [tilespmem:s24+$0xA180]  }
0x35: {  	v20 =	vld [tilespmem:s24+$0xA190]  }
0x36: {  	v21 =	vld [tilespmem:s24+$0xA1A0]  }
0x37: {  	v0 =	vld [tilespmem:s24+$0xA100]  }
0x38: {  	v1 =	vld [tilespmem:s24+$0xA000]  }
0x39: {  	v2 =	vld [tilespmem:s24+$0xA080]  }
0x3a: {  	v27 =	vld [tilespmem:s24+$0xA110]  }
0x3b: {  	v28 =	vld [tilespmem:s24+$0xA120]  }
0x3c: {  	v23 =	vimm.f32 $-Inf;
	v30 =	vld [tilespmem:s24+$0xA090]  }
0x3d: {  	v31 =	vld [tilespmem:s24+$0xA0A0];
	v1 =	vmax.f32 v23, v1  }
0x3e: {  	v32 =	vld [tilespmem:s24+$0xA010];
	v1 =	vmax.f32 v1, v2  }
0x3f: {  	s25 =	simm.s32 $0x1000;
	v25 =	vimm.f32 $-Inf;
	v26 =	vimm.f32 $-Inf;
	v33 =	vld [tilespmem:s24+$0xA020];
	v34 =	vmax.f32 v1, v0  }
.LBB2_3:
0x40: {  	p0 =	sne.s32 s25, $0xF000;
	v0 =	vld [tilespmem:s24+$0xA030];
	v1 =	vmax.f32 v34, v13  }
0x41: {  	v2 =	vld [tilespmem:s24+$0xA0B0];
	v1 =	vmax.f32 v1, v14  }
0x42: {  	v3 =	vld [tilespmem:s24+$0xA130];
	v1 =	vmax.f32 v1, v24  }
0x43: {  	v8 =	vld [tilespmem:s24+$0xA1B0];
	v1 =	vmax.f32 v1, v19  }
0x44: {  	v9 =	vld [tilespmem:s24+$0xA230];
	v1 =	vmax.f32 v1, v15  }
0x45: {  	v12 =	vmax.f32 v23, v32;
	v13 =	vmax.f32 v25, v33;
	v0 =	vmax.f32 v26, v0;
	v14 =	vld [tilespmem:s24+$0xA2B0]  }
0x46: {  	v12 =	vmax.f32 v12, v30;
	v13 =	vmax.f32 v13, v31;
	v0 =	vmax.f32 v0, v2;
	v2 =	vld [tilespmem:s24+$0xA330]  }
0x47: {  	v12 =	vmax.f32 v12, v27;
	v13 =	vmax.f32 v13, v28;
	v0 =	vmax.f32 v0, v3;
	v3 =	vld [tilespmem:s24+$0xA3B0];
	s24 =	sshra.s32 s25, $0x2  }
0x48: {  	v12 =	vmax.f32 v12, v20;
	v13 =	vmax.f32 v13, v21;
	v15 =	vld [tilespmem:s24+$0xA380];
	v0 =	vmax.f32 v0, v8  }
0x49: {  	v12 =	vmax.f32 v12, v16;
	v13 =	vmax.f32 v13, v17;
	v8 =	vld [tilespmem:s24+$0xA390];
	v0 =	vmax.f32 v0, v9  }
0x4a: {  	v10 =	vmax.f32 v12, v10;
	v11 =	vmax.f32 v13, v11;
	v9 =	vld [tilespmem:s24+$0xA3A0];
	v0 =	vmax.f32 v0, v14  }
0x4b: {  	v10 =	vmax.f32 v10, v6;
	v7 =	vmax.f32 v11, v7;
	v19 =	vld [tilespmem:s24+$0xA300];
	v0 =	vmax.f32 v0, v2  }
0x4c: {  	v23 =	vmax.f32 v10, v4;
	v25 =	vmax.f32 v7, v5;
	v6 =	vld [tilespmem:s24+$0xA310];
	v26 =	vmax.f32 v0, v3  }
0x4d: {  	v7 =	vld [tilespmem:s24+$0xA320]  }
0x4e: {  	v24 =	vld [tilespmem:s24+$0xA280];
	v4 =	vmov v8  }
0x4f: {  	v10 =	vld [tilespmem:s24+$0xA290];
	v5 =	vmov v9  }
0x50: {  	v11 =	vld [tilespmem:s24+$0xA2A0]  }
0x51: {  	v14 =	vld [tilespmem:s24+$0xA200]  }
0x52: {  	v16 =	vld [tilespmem:s24+$0xA210]  }
0x53: {  	v17 =	vld [tilespmem:s24+$0xA220]  }
0x54: {  	v13 =	vld [tilespmem:s24+$0xA180]  }
0x55: {  	v20 =	vld [tilespmem:s24+$0xA190]  }
0x56: {  	v21 =	vld [tilespmem:s24+$0xA1A0]  }
0x57: {  	v0 =	vld [tilespmem:s24+$0xA100]  }
0x58: {  	v2 =	vld [tilespmem:s24+$0xA000]  }
0x59: {  	v3 =	vld [tilespmem:s24+$0xA080]  }
0x5a: {  	v27 =	vld [tilespmem:s24+$0xA110]  }
.Ltmp2:
0x5b: {  	v28 =	vld [tilespmem:s24+$0xA120];
	(pc) =	sbr.rel @p0 .LBB2_3-.Ltmp2, $4  }
0x5c: {  	v30 =	vld [tilespmem:s24+$0xA090]  }
0x5d: {  	v1 =	vmax.f32 v1, v2;
	v31 =	vld [tilespmem:s24+$0xA0A0]  }
0x5e: {  	v32 =	vld [tilespmem:s24+$0xA010];
	v1 =	vmax.f32 v1, v3  }
0x5f: {  	s25 =	sadd.s32 $0x1000, s25;
	v33 =	vld [tilespmem:s24+$0xA020];
	v34 =	vmax.f32 v1, v0  }
0x60: {  	v35 =	vld [tilespmem:s24+$0xA030]  }
0x61: {  	v36 =	vld [tilespmem:s24+$0xA0B0]  }
0x62: {  	v37 =	vld [tilespmem:s24+$0xA130]  }
0x63: {  	v38 =	vld [tilespmem:s24+$0xA1B0]  }
0x64: {  	v39 =	vld [tilespmem:s24+$0xA230]  }
0x65: {  	v40 =	vld [tilespmem:s24+$0xA2B0]  }
0x66: {  	v41 =	vld [tilespmem:s24+$0xA330]  }
0x67: {  	v42 =	vld [tilespmem:s24+$0xA3B0];
	_ =	swait.ge [sflag:s18], $0x2400  }
0x68: {  	[sflag:s18] =	ssyncset.done $0x0  }
0x69: {  	s25 =	simm.s32 $0x0;
	[sflag:s18] =	ssyncadd.s32 $0xFFFFDC00  }
0x6a: {  	v12 =	vld [tilespmem:s25+$0x12380]  }
0x6b: {  	v0 =	vld [tilespmem:s25+$0x12390]  }
0x6c: {  	v1 =	vld [tilespmem:s25+$0x123A0]  }
0x6d: {  	v18 =	vld [tilespmem:s25+$0x12300]  }
0x6e: {  	v2 =	vld [tilespmem:s25+$0x12310]  }
0x6f: {  	v3 =	vld [tilespmem:s25+$0x12320]  }
0x70: {  	v22 =	vld [tilespmem:s25+$0x12280]  }
0x71: {  	v8 =	vld [tilespmem:s25+$0x12290]  }
0x72: {  	v9 =	vld [tilespmem:s25+$0x122A0]  }
0x73: {  	v29 =	vld [tilespmem:s25+$0x12200]  }
0x74: {  	v34 =	vmax.f32 v34, v13;
	v13 =	vld [tilespmem:s25+$0x12210]  }
0x75: {  	v34 =	vmax.f32 v34, v14;
	v14 =	vld [tilespmem:s25+$0x12220]  }
0x76: {  	v34 =	vmax.f32 v34, v24;
	v24 =	vld [tilespmem:s25+$0x12180]  }
0x77: {  	v34 =	vmax.f32 v34, v19;
	v19 =	vld [tilespmem:s25+$0x12190]  }
0x78: {  	v23 =	vmax.f32 v23, v32;
	v63 =	vld [tilespmem:s25+$0x12100]  }
0x79: {  	v34 =	vmax.f32 v34, v15;
	v15 =	vld [tilespmem:s25+$0x121A0];
	v25 =	vmax.f32 v25, v33;
	v23 =	vmax.f32 v23, v30  }
0x7a: {  	v30 =	vld [tilespmem:s25+$0x12000];
	v26 =	vmax.f32 v26, v35;
	v25 =	vmax.f32 v25, v31;
	v23 =	vmax.f32 v23, v27  }
0x7b: {  	v27 =	vld [tilespmem:s25+$0x12080];
	v26 =	vmax.f32 v26, v36;
	v25 =	vmax.f32 v25, v28;
	v23 =	vmax.f32 v23, v20  }
0x7c: {  	v20 =	vld [tilespmem:s25+$0x12110];
	v26 =	vmax.f32 v26, v37;
	v21 =	vmax.f32 v25, v21;
	v23 =	vmax.f32 v23, v16  }
0x7d: {  	v16 =	vld [tilespmem:s25+$0x12120];
	v25 =	vmax.f32 v26, v38;
	v17 =	vmax.f32 v21, v17;
	v23 =	vmax.f32 v23, v10  }
0x7e: {  	v10 =	vld [tilespmem:s25+$0x12090];
	v21 =	vmax.f32 v25, v39;
	v11 =	vmax.f32 v17, v11;
	v6 =	vmax.f32 v23, v6  }
0x7f: {  	v17 =	vmax.f32 v21, v40;
	v21 =	vmax.f32 v11, v7;
	v11 =	vmax.f32 v34, v30;
	v7 =	vld [tilespmem:s25+$0x120A0]  }
0x80: {  	v6 =	vmax.f32 v6, v4;
	v17 =	vmax.f32 v17, v41;
	v23 =	vmax.f32 v11, v27;
	v11 =	vld [tilespmem:s25+$0x12010]  }
0x81: {  	s24 =	simm.s32 $0x1000;
	v5 =	vmax.f32 v21, v5;
	v4 =	vmax.f32 v17, v42;
	v17 =	vld [tilespmem:s25+$0x12020];
	v21 =	vmax.f32 v23, v63  }
.LBB2_5:
0x82: {  	p0 =	sne.s32 s24, $0x8000;
	v23 =	vld [tilespmem:s25+$0x12030];
	v21 =	vmax.f32 v21, v24  }
0x83: {  	v24 =	vld [tilespmem:s25+$0x120B0];
	v21 =	vmax.f32 v21, v29  }
0x84: {  	v25 =	vld [tilespmem:s25+$0x12130];
	v21 =	vmax.f32 v21, v22  }
0x85: {  	v22 =	vld [tilespmem:s25+$0x121B0];
	v18 =	vmax.f32 v21, v18  }
0x86: {  	v21 =	vld [tilespmem:s25+$0x12230];
	v26 =	vmax.f32 v18, v12  }
0x87: {  	v6 =	vmax.f32 v6, v11;
	v5 =	vmax.f32 v5, v17;
	v4 =	vmax.f32 v4, v23;
	v11 =	vld [tilespmem:s25+$0x122B0]  }
0x88: {  	v6 =	vmax.f32 v6, v10;
	v5 =	vmax.f32 v5, v7;
	v4 =	vmax.f32 v4, v24;
	v7 =	vld [tilespmem:s25+$0x12330]  }
0x89: {  	v6 =	vmax.f32 v6, v20;
	v5 =	vmax.f32 v5, v16;
	v4 =	vmax.f32 v4, v25;
	v10 =	vld [tilespmem:s25+$0x123B0];
	s25 =	sshra.s32 s24, $0x2  }
0x8a: {  	v6 =	vmax.f32 v6, v19;
	v5 =	vmax.f32 v5, v15;
	v12 =	vld [tilespmem:s25+$0x12380];
	v4 =	vmax.f32 v4, v22  }
0x8b: {  	v6 =	vmax.f32 v6, v13;
	v5 =	vmax.f32 v5, v14;
	v15 =	vld [tilespmem:s25+$0x12390];
	v4 =	vmax.f32 v4, v21  }
0x8c: {  	v6 =	vmax.f32 v6, v8;
	v5 =	vmax.f32 v5, v9;
	v13 =	vld [tilespmem:s25+$0x123A0];
	v4 =	vmax.f32 v4, v11  }
0x8d: {  	v6 =	vmax.f32 v6, v2;
	v3 =	vmax.f32 v5, v3;
	v18 =	vld [tilespmem:s25+$0x12300];
	v4 =	vmax.f32 v4, v7  }
0x8e: {  	v6 =	vmax.f32 v6, v0;
	v5 =	vmax.f32 v3, v1;
	v2 =	vld [tilespmem:s25+$0x12310];
	v4 =	vmax.f32 v4, v10  }
0x8f: {  	v3 =	vld [tilespmem:s25+$0x12320]  }
0x90: {  	v22 =	vld [tilespmem:s25+$0x12280];
	v0 =	vmov v15  }
0x91: {  	v8 =	vld [tilespmem:s25+$0x12290];
	v1 =	vmov v13  }
0x92: {  	v9 =	vld [tilespmem:s25+$0x122A0]  }
0x93: {  	v29 =	vld [tilespmem:s25+$0x12200]  }
0x94: {  	v13 =	vld [tilespmem:s25+$0x12210]  }
0x95: {  	v14 =	vld [tilespmem:s25+$0x12220]  }
0x96: {  	v24 =	vld [tilespmem:s25+$0x12180]  }
0x97: {  	v19 =	vld [tilespmem:s25+$0x12190]  }
0x98: {  	v15 =	vld [tilespmem:s25+$0x121A0]  }
0x99: {  	v21 =	vld [tilespmem:s25+$0x12100]  }
0x9a: {  	v7 =	vld [tilespmem:s25+$0x12000]  }
0x9b: {  	v17 =	vld [tilespmem:s25+$0x12080]  }
0x9c: {  	v20 =	vld [tilespmem:s25+$0x12110]  }
.Ltmp3:
0x9d: {  	v16 =	vld [tilespmem:s25+$0x12120];
	(pc) =	sbr.rel @p0 .LBB2_5-.Ltmp3, $4  }
0x9e: {  	v10 =	vld [tilespmem:s25+$0x12090]  }
0x9f: {  	v23 =	vmax.f32 v26, v7;
	v7 =	vld [tilespmem:s25+$0x120A0]  }
0xa0: {  	v11 =	vld [tilespmem:s25+$0x12010];
	v23 =	vmax.f32 v23, v17  }
0xa1: {  	s24 =	sadd.s32 $0x1000, s24;
	v17 =	vld [tilespmem:s25+$0x12020];
	v21 =	vmax.f32 v23, v21  }
0xa2: {  	v23 =	vld [tilespmem:s25+$0x12030]  }
0xa3: {  	v25 =	vld [tilespmem:s25+$0x120B0]  }
0xa4: {  	v26 =	vld [tilespmem:s25+$0x12130];
	v21 =	vmax.f32 v21, v24  }
0xa5: {  	v24 =	vld [tilespmem:s25+$0x121B0];
	v21 =	vmax.f32 v21, v29  }
0xa6: {  	v27 =	vld [tilespmem:s25+$0x12230];
	v21 =	vmax.f32 v21, v22  }
0xa7: {  	v22 =	vld [tilespmem:s25+$0x122B0];
	v18 =	vmax.f32 v21, v18;
	v6 =	vmax.f32 v6, v11  }
0xa8: {  	s24 =	sshll.u32 s23, $0x8;
	p0 =	seq.s32 s23, $0x3F;
	s31 =	sshll.u32 s23, $0x7;
	v11 =	vld [tilespmem:s25+$0x12330];
	v12 =	vmax.f32 v18, v12;
	v5 =	vmax.f32 v5, v17;
	v6 =	vmax.f32 v6, v10  }
0xa9: {  	s26 =	simm.s32 @!p0 $0x80;
	s28 =	simm.s32 @!p0 $0xA000;
	v10 =	vld [tilespmem:s25+$0x123B0];
	s25 =	sadd.s32 @!p0 $0x100, s24;
	v4 =	vmax.f32 v4, v23;
	v5 =	vmax.f32 v5, v7;
	v6 =	vmax.f32 v6, v20  }
0xaa: {  	[tilespmem:s28], [sflag:$0x1] =	stream.indirect.gather @!p0 [hbm4b:s3+s26], $0x80, s25, s26, $0xb8;
	v4 =	vmax.f32 v4, v25;
	v5 =	vmax.f32 v5, v16;
	v6 =	vmax.f32 v6, v19;
	[tilespmem:$0x16800] =	vst v63  }
0xab: {  	s25 =	sadd.s32 @!p0 $0x4100, s24;
	s26 =	simm.s32 @!p0 $0x48;
	s28 =	simm.s32 @!p0 $0x12000;
	v4 =	vmax.f32 v4, v26;
	v5 =	vmax.f32 v5, v15;
	v6 =	vmax.f32 v6, v13  }
0xac: {  	[tilespmem:s28], [sflag:$0x3] =	stream.indirect.gather @!p0 [hbm4b:s3+s26], $0x80, s25, s26, $0xb8;
	v4 =	vmax.f32 v4, v24;
	v5 =	vmax.f32 v5, v14;
	v6 =	vmax.f32 v6, v8;
	[tilespmem:$0x16800] =	vst v63  }
0xad: {  	s25 =	sand.u32 $0x3FFFFF80, s31;
	v4 =	vmax.f32 v4, v27;
	v5 =	vmax.f32 v5, v9;
	v2 =	vmax.f32 v6, v2  }
0xae: {  	[tilespmem:s25+$0x8000] =	vst v12;
	v4 =	vmax.f32 v4, v22;
	v3 =	vmax.f32 v5, v3;
	v0 =	vmax.f32 v2, v0  }
0xaf: {  	v2 =	vmax.f32 v4, v11;
	v1 =	vmax.f32 v3, v1;
	[tilespmem:s25+$0x8010] =	vst v0  }
0xb0: {  	v0 =	vmax.f32 v2, v10;
	[tilespmem:s25+$0x8020] =	vst v1  }
0xb1: {  	[tilespmem:s25+$0x8030] =	vst v0  }
0xb2: {  	_ =	swait.ge [sflag:s19], $0x4000  }
0xb3: {  	[sflag:s19] =	ssyncset.done $0x0  }
0xb4: {  	s26 =	simm.s32 $0x0;
	[sflag:s19] =	ssyncadd.s32 $0xFFFFC000  }
0xb5: {  	v13 =	vld [tilespmem:s26+$0xE380]  }
0xb6: {  	v0 =	vld [tilespmem:s26+$0xE390]  }
0xb7: {  	v1 =	vld [tilespmem:s26+$0xE3A0]  }
0xb8: {  	v19 =	vld [tilespmem:s26+$0xE300]  }
0xb9: {  	v5 =	vld [tilespmem:s26+$0xE310]  }
0xba: {  	v7 =	vld [tilespmem:s26+$0xE320]  }
0xbb: {  	v24 =	vld [tilespmem:s26+$0xE280]  }
0xbc: {  	v9 =	vld [tilespmem:s26+$0xE290]  }
0xbd: {  	v11 =	vld [tilespmem:s26+$0xE2A0]  }
0xbe: {  	v16 =	vld [tilespmem:s26+$0xE200]  }
0xbf: {  	v15 =	vld [tilespmem:s26+$0xE210]  }
0xc0: {  	v17 =	vld [tilespmem:s26+$0xE220]  }
0xc1: {  	v14 =	vld [tilespmem:s26+$0xE180]  }
0xc2: {  	v20 =	vld [tilespmem:s26+$0xE190]  }
0xc3: {  	v21 =	vld [tilespmem:s26+$0xE1A0]  }
0xc4: {  	v2 =	vld [tilespmem:s26+$0xE100]  }
0xc5: {  	v3 =	vld [tilespmem:s26+$0xE000]  }
0xc6: {  	v4 =	vld [tilespmem:s26+$0xE080]  }
0xc7: {  	v27 =	vld [tilespmem:s26+$0xE110]  }
0xc8: {  	v28 =	vld [tilespmem:s26+$0xE120]  }
0xc9: {  	v22 =	vimm.f32 $-Inf;
	v30 =	vld [tilespmem:s26+$0xE090]  }
0xca: {  	v31 =	vld [tilespmem:s26+$0xE0A0];
	v3 =	vmax.f32 v22, v3  }
0xcb: {  	v32 =	vld [tilespmem:s26+$0xE010];
	v3 =	vmax.f32 v3, v4  }
0xcc: {  	v25 =	vimm.f32 $-Inf;
	s28 =	simm.s32 $0x1000;
	v26 =	vimm.f32 $-Inf;
	v33 =	vld [tilespmem:s26+$0xE020];
	v34 =	vmax.f32 v3, v2  }
.LBB2_7:
0xcd: {  	p1 =	sne.s32 s28, $0xF000;
	v2 =	vld [tilespmem:s26+$0xE030];
	v3 =	vmax.f32 v34, v14  }
0xce: {  	v4 =	vld [tilespmem:s26+$0xE0B0];
	v3 =	vmax.f32 v3, v16  }
0xcf: {  	v6 =	vld [tilespmem:s26+$0xE130];
	v3 =	vmax.f32 v3, v24  }
0xd0: {  	v8 =	vld [tilespmem:s26+$0xE1B0];
	v3 =	vmax.f32 v3, v19  }
0xd1: {  	v10 =	vld [tilespmem:s26+$0xE230];
	v3 =	vmax.f32 v3, v13  }
0xd2: {  	v12 =	vmax.f32 v22, v32;
	v13 =	vmax.f32 v25, v33;
	v2 =	vmax.f32 v26, v2;
	v14 =	vld [tilespmem:s26+$0xE2B0]  }
0xd3: {  	v12 =	vmax.f32 v12, v30;
	v13 =	vmax.f32 v13, v31;
	v2 =	vmax.f32 v2, v4;
	v4 =	vld [tilespmem:s26+$0xE330]  }
0xd4: {  	v12 =	vmax.f32 v12, v27;
	v16 =	vmax.f32 v13, v28;
	v2 =	vmax.f32 v2, v6;
	v6 =	vld [tilespmem:s26+$0xE3B0];
	s26 =	sshra.s32 s28, $0x2  }
0xd5: {  	v12 =	vmax.f32 v12, v20;
	v16 =	vmax.f32 v16, v21;
	v13 =	vld [tilespmem:s26+$0xE380];
	v2 =	vmax.f32 v2, v8  }
0xd6: {  	v12 =	vmax.f32 v12, v15;
	v15 =	vmax.f32 v16, v17;
	v8 =	vld [tilespmem:s26+$0xE390];
	v2 =	vmax.f32 v2, v10  }
0xd7: {  	v9 =	vmax.f32 v12, v9;
	v11 =	vmax.f32 v15, v11;
	v10 =	vld [tilespmem:s26+$0xE3A0];
	v2 =	vmax.f32 v2, v14  }
0xd8: {  	v9 =	vmax.f32 v9, v5;
	v7 =	vmax.f32 v11, v7;
	v19 =	vld [tilespmem:s26+$0xE300];
	v2 =	vmax.f32 v2, v4  }
0xd9: {  	v22 =	vmax.f32 v9, v0;
	v25 =	vmax.f32 v7, v1;
	v5 =	vld [tilespmem:s26+$0xE310];
	v26 =	vmax.f32 v2, v6  }
0xda: {  	v7 =	vld [tilespmem:s26+$0xE320]  }
0xdb: {  	v24 =	vld [tilespmem:s26+$0xE280];
	v0 =	vmov v8  }
0xdc: {  	v9 =	vld [tilespmem:s26+$0xE290];
	v1 =	vmov v10  }
0xdd: {  	v11 =	vld [tilespmem:s26+$0xE2A0]  }
0xde: {  	v16 =	vld [tilespmem:s26+$0xE200]  }
0xdf: {  	v15 =	vld [tilespmem:s26+$0xE210]  }
0xe0: {  	v17 =	vld [tilespmem:s26+$0xE220]  }
0xe1: {  	v14 =	vld [tilespmem:s26+$0xE180]  }
0xe2: {  	v20 =	vld [tilespmem:s26+$0xE190]  }
0xe3: {  	v21 =	vld [tilespmem:s26+$0xE1A0]  }
0xe4: {  	v2 =	vld [tilespmem:s26+$0xE100]  }
0xe5: {  	v4 =	vld [tilespmem:s26+$0xE000]  }
0xe6: {  	v6 =	vld [tilespmem:s26+$0xE080]  }
0xe7: {  	v27 =	vld [tilespmem:s26+$0xE110]  }
.Ltmp4:
0xe8: {  	v28 =	vld [tilespmem:s26+$0xE120];
	(pc) =	sbr.rel @p1 .LBB2_7-.Ltmp4, $4  }
0xe9: {  	v30 =	vld [tilespmem:s26+$0xE090]  }
0xea: {  	v3 =	vmax.f32 v3, v4;
	v31 =	vld [tilespmem:s26+$0xE0A0]  }
0xeb: {  	v32 =	vld [tilespmem:s26+$0xE010];
	v3 =	vmax.f32 v3, v6  }
0xec: {  	s28 =	sadd.s32 $0x1000, s28;
	v33 =	vld [tilespmem:s26+$0xE020];
	v34 =	vmax.f32 v3, v2  }
0xed: {  	v35 =	vld [tilespmem:s26+$0xE030]  }
0xee: {  	v36 =	vld [tilespmem:s26+$0xE0B0]  }
0xef: {  	v37 =	vld [tilespmem:s26+$0xE130]  }
0xf0: {  	v38 =	vld [tilespmem:s26+$0xE1B0]  }
0xf1: {  	v39 =	vld [tilespmem:s26+$0xE230]  }
0xf2: {  	v40 =	vld [tilespmem:s26+$0xE2B0]  }
0xf3: {  	v41 =	vld [tilespmem:s26+$0xE330]  }
0xf4: {  	v42 =	vld [tilespmem:s26+$0xE3B0];
	_ =	swait.ge [sflag:s20], $0x2400  }
0xf5: {  	[sflag:s20] =	ssyncset.done $0x0  }
0xf6: {  	s26 =	simm.s32 $0x0;
	[sflag:s20] =	ssyncadd.s32 $0xFFFFDC00  }
0xf7: {  	v12 =	vld [tilespmem:s26+$0x14780]  }
0xf8: {  	v2 =	vld [tilespmem:s26+$0x14790]  }
0xf9: {  	v3 =	vld [tilespmem:s26+$0x147A0]  }
0xfa: {  	v18 =	vld [tilespmem:s26+$0x14700]  }
0xfb: {  	v4 =	vld [tilespmem:s26+$0x14710]  }
0xfc: {  	v6 =	vld [tilespmem:s26+$0x14720]  }
0xfd: {  	v23 =	vld [tilespmem:s26+$0x14680]  }
0xfe: {  	v8 =	vld [tilespmem:s26+$0x14690]  }
0xff: {  	v10 =	vld [tilespmem:s26+$0x146A0]  }
0x100: {  	v29 =	vld [tilespmem:s26+$0x14600]  }
0x101: {  	v34 =	vmax.f32 v34, v14;
	v14 =	vld [tilespmem:s26+$0x14610]  }
0x102: {  	v34 =	vmax.f32 v34, v16;
	v16 =	vld [tilespmem:s26+$0x14620]  }
0x103: {  	v34 =	vmax.f32 v34, v24;
	v24 =	vld [tilespmem:s26+$0x14580]  }
0x104: {  	v34 =	vmax.f32 v34, v19;
	v19 =	vld [tilespmem:s26+$0x14590]  }
0x105: {  	v22 =	vmax.f32 v22, v32;
	v63 =	vld [tilespmem:s26+$0x14500]  }
0x106: {  	v34 =	vmax.f32 v34, v13;
	v13 =	vld [tilespmem:s26+$0x145A0];
	v25 =	vmax.f32 v25, v33;
	v22 =	vmax.f32 v22, v30  }
0x107: {  	v30 =	vld [tilespmem:s26+$0x14400];
	v26 =	vmax.f32 v26, v35;
	v25 =	vmax.f32 v25, v31;
	v22 =	vmax.f32 v22, v27  }
0x108: {  	v27 =	vld [tilespmem:s26+$0x14480];
	v26 =	vmax.f32 v26, v36;
	v25 =	vmax.f32 v25, v28;
	v22 =	vmax.f32 v22, v20  }
0x109: {  	v20 =	vld [tilespmem:s26+$0x14510];
	v26 =	vmax.f32 v26, v37;
	v21 =	vmax.f32 v25, v21;
	v22 =	vmax.f32 v22, v15  }
0x10a: {  	v15 =	vld [tilespmem:s26+$0x14520];
	v25 =	vmax.f32 v26, v38;
	v17 =	vmax.f32 v21, v17;
	v22 =	vmax.f32 v22, v9  }
0x10b: {  	v9 =	vld [tilespmem:s26+$0x14490];
	v21 =	vmax.f32 v25, v39;
	v11 =	vmax.f32 v17, v11;
	v5 =	vmax.f32 v22, v5  }
0x10c: {  	v17 =	vmax.f32 v21, v40;
	v21 =	vmax.f32 v11, v7;
	v11 =	vmax.f32 v34, v30;
	v7 =	vld [tilespmem:s26+$0x144A0]  }
0x10d: {  	v0 =	vmax.f32 v5, v0;
	v17 =	vmax.f32 v17, v41;
	v22 =	vmax.f32 v11, v27;
	v11 =	vld [tilespmem:s26+$0x14410]  }
0x10e: {  	s28 =	simm.s32 $0x1000;
	v1 =	vmax.f32 v21, v1;
	v5 =	vmax.f32 v17, v42;
	v17 =	vld [tilespmem:s26+$0x14420];
	v21 =	vmax.f32 v22, v63  }
.LBB2_9:
0x10f: {  	p1 =	sne.s32 s28, $0x8000;
	v22 =	vld [tilespmem:s26+$0x14430];
	v21 =	vmax.f32 v21, v24  }
0x110: {  	v24 =	vld [tilespmem:s26+$0x144B0];
	v21 =	vmax.f32 v21, v29  }
0x111: {  	v25 =	vld [tilespmem:s26+$0x14530];
	v21 =	vmax.f32 v21, v23  }
0x112: {  	v23 =	vld [tilespmem:s26+$0x145B0];
	v18 =	vmax.f32 v21, v18  }
0x113: {  	v21 =	vld [tilespmem:s26+$0x14630];
	v26 =	vmax.f32 v18, v12  }
0x114: {  	v0 =	vmax.f32 v0, v11;
	v1 =	vmax.f32 v1, v17;
	v5 =	vmax.f32 v5, v22;
	v11 =	vld [tilespmem:s26+$0x146B0]  }
0x115: {  	v0 =	vmax.f32 v0, v9;
	v1 =	vmax.f32 v1, v7;
	v5 =	vmax.f32 v5, v24;
	v7 =	vld [tilespmem:s26+$0x14730]  }
0x116: {  	v0 =	vmax.f32 v0, v20;
	v1 =	vmax.f32 v1, v15;
	v5 =	vmax.f32 v5, v25;
	v9 =	vld [tilespmem:s26+$0x147B0];
	s26 =	sshra.s32 s28, $0x2  }
0x117: {  	v0 =	vmax.f32 v0, v19;
	v1 =	vmax.f32 v1, v13;
	v12 =	vld [tilespmem:s26+$0x14780];
	v5 =	vmax.f32 v5, v23  }
0x118: {  	v0 =	vmax.f32 v0, v14;
	v1 =	vmax.f32 v1, v16;
	v13 =	vld [tilespmem:s26+$0x14790];
	v5 =	vmax.f32 v5, v21  }
0x119: {  	v0 =	vmax.f32 v0, v8;
	v1 =	vmax.f32 v1, v10;
	v14 =	vld [tilespmem:s26+$0x147A0];
	v5 =	vmax.f32 v5, v11  }
0x11a: {  	v0 =	vmax.f32 v0, v4;
	v1 =	vmax.f32 v1, v6;
	v18 =	vld [tilespmem:s26+$0x14700];
	v5 =	vmax.f32 v5, v7  }
0x11b: {  	v0 =	vmax.f32 v0, v2;
	v1 =	vmax.f32 v1, v3;
	v4 =	vld [tilespmem:s26+$0x14710];
	v5 =	vmax.f32 v5, v9  }
0x11c: {  	v6 =	vld [tilespmem:s26+$0x14720]  }
0x11d: {  	v23 =	vld [tilespmem:s26+$0x14680];
	v2 =	vmov v13  }
0x11e: {  	v8 =	vld [tilespmem:s26+$0x14690];
	v3 =	vmov v14  }
0x11f: {  	v10 =	vld [tilespmem:s26+$0x146A0]  }
0x120: {  	v29 =	vld [tilespmem:s26+$0x14600]  }
0x121: {  	v14 =	vld [tilespmem:s26+$0x14610]  }
0x122: {  	v16 =	vld [tilespmem:s26+$0x14620]  }
0x123: {  	v24 =	vld [tilespmem:s26+$0x14580]  }
0x124: {  	v19 =	vld [tilespmem:s26+$0x14590]  }
0x125: {  	v13 =	vld [tilespmem:s26+$0x145A0]  }
0x126: {  	v21 =	vld [tilespmem:s26+$0x14500]  }
0x127: {  	v7 =	vld [tilespmem:s26+$0x14400]  }
0x128: {  	v17 =	vld [tilespmem:s26+$0x14480]  }
0x129: {  	v20 =	vld [tilespmem:s26+$0x14510]  }
.Ltmp5:
0x12a: {  	v15 =	vld [tilespmem:s26+$0x14520];
	(pc) =	sbr.rel @p1 .LBB2_9-.Ltmp5, $4  }
0x12b: {  	v9 =	vld [tilespmem:s26+$0x14490]  }
0x12c: {  	v22 =	vmax.f32 v26, v7;
	v7 =	vld [tilespmem:s26+$0x144A0]  }
0x12d: {  	v11 =	vld [tilespmem:s26+$0x14410];
	v22 =	vmax.f32 v22, v17  }
0x12e: {  	s28 =	sadd.s32 $0x1000, s28;
	v17 =	vld [tilespmem:s26+$0x14420];
	v21 =	vmax.f32 v22, v21  }
0x12f: {  	v22 =	vld [tilespmem:s26+$0x14430]  }
0x130: {  	v21 =	vmax.f32 v21, v24;
	v57 =	vld [tilespmem:s26+$0x144B0]  }
0x131: {  	v25 =	vld [tilespmem:s26+$0x14530];
	v21 =	vmax.f32 v21, v29  }
0x132: {  	v58 =	vld [tilespmem:s26+$0x145B0];
	v21 =	vmax.f32 v21, v23  }
0x133: {  	v59 =	vld [tilespmem:s26+$0x14630];
	v18 =	vmax.f32 v21, v18;
	v0 =	vmax.f32 v0, v11  }
0x134: {  	v60 =	vld [tilespmem:s26+$0x146B0];
	v12 =	vmax.f32 v18, v12;
	v1 =	vmax.f32 v1, v17;
	v5 =	vmax.f32 v5, v22  }
0x135: {  	v61 =	vld [tilespmem:s26+$0x14730];
	v0 =	vmax.f32 v0, v9;
	v1 =	vmax.f32 v1, v7;
	v5 =	vmax.f32 v5, v57  }
0x136: {  	v62 =	vld [tilespmem:s26+$0x147B0];
	v0 =	vmax.f32 v0, v20;
	v1 =	vmax.f32 v1, v15;
	v5 =	vmax.f32 v5, v25  }
.Ltmp6:
0x137: {  	v0 =	vmax.f32 v0, v19;
	v1 =	vmax.f32 v1, v13;
	v5 =	vmax.f32 v5, v58;
	(pc) =	sbr.rel @p0 .LBB2_12-.Ltmp6, $4  }
0x138: {  	v0 =	vmax.f32 v0, v14;
	v1 =	vmax.f32 v1, v16;
	v5 =	vmax.f32 v5, v59  }
0x139: {  	v0 =	vmax.f32 v0, v8;
	v1 =	vmax.f32 v1, v10;
	v5 =	vmax.f32 v5, v60  }
0x13a: {  	v0 =	vmax.f32 v0, v4;
	v1 =	vmax.f32 v1, v6;
	v63 =	vmax.f32 v5, v61  }
0x13b: {  	v2 =	vmax.f32 v0, v2;
	v1 =	vmax.f32 v1, v3;
	v0 =	vmax.f32 v63, v62  }
0x13c: {  	s26 =	sadd.s32 $0x180, s24  }
0x13d: {  	[tilespmem:s14], [sflag:$0x2] =	stream.indirect.gather [hbm4b:s3+s10], $0x80, s26, s10, $0xb8;
	[tilespmem:$0x16800] =	vst v63  }
0x13e: {  	s31 =	sadd.s32 $0x4180, s24  }
0x13f: {  	[tilespmem:s16], [sflag:$0x4] =	stream.indirect.gather [hbm4b:s3+s12], $0x80, s31, s12, $0xb8;
	[tilespmem:$0x16800] =	vst v63  }
.Ltmp7:
0x140: {  	_ = 	snop;
	(pc) =	sbr.rel .LBB2_2-.Ltmp7, $4  }
0x141: {  	[tilespmem:s25+$0x8040] =	vst v12  }
0x142: {  	[tilespmem:s25+$0x8050] =	vst v2  }
0x143: {  	[tilespmem:s25+$0x8060] =	vst v1  }
0x144: {  	s23 =	sadd.s32 $0x1, s23;
	[tilespmem:s25+$0x8070] =	vst v0  }
.LBB2_13:
0x145: {  	_ =	sfence.sel $0x180000  }
0x146: {  	[bflag:$0x0] =	sbarrier.arrive $0xFFFF  }
0x147: {  	p0 =	sne.s32 s0, $0x0;
	_ =	strace $0x90000047  }
0x148: {  	s0 =	sadd.s32 @!p0 $0x100000, s1;
	[bflag:$0x2] =	sbarrier.arrive $0xFFFF  }
0x149: {  	[sflag:s0] =	ssyncadd.tile.s32 @!p0 $0x1;
	_ =	shalt  }
.Lfunc_end2:
_tile_overlayer_lowered:
.L_overlay_start_2:
0x14a: {  	(tag) =	ssettag $0x2  }
0x14b: {  	s0 =	rddreg [dreg:$0x0];
	s2 =	stileid.u32  }
0x14c: {  	s1 =	rddreg [dreg:$0x1];
	p0 =	sne.s32 s2, $0x0  }
0x14d: {  	s3 =	rddreg [dreg:$0x2];
	[bflag:$0x3] =	sbarrier.arrive $0xFFFF;
	s2 =	simm.s32 @!p0 $0x1C05  }
0x14e: {  	[timem:s3], [sflag:s2] =	dma.local @!p0 [hbm:s0], s1  }
0x14f: {  	s0 =	simm.s32 @!p0 $0x5  }
0x150: {  	_ =	swait.ge @!p0 [sflag:s0], s1  }
0x151: {  	s1 =	ssub.s32 @!p0 $0x0, s1;
	[sflag:s0] =	ssyncset.done @!p0 $0x0  }
0x152: {  	[sflag:s0] =	ssyncadd.s32 @!p0 s1  }
0x153: {  	[bflag:$0x3] =	sbarrier.arrive $0xFFFF  }
0x154: {  	_ =	shalt  }

</sc_bundles>
